<compile_context>
chip_gen: v7x
topology: tpu7x:2x2x1
jax: 0.10.2.dev20260603
libtpu: 0.0.44.dev20260713+nightly
codegen_flags: <defaults>
</compile_context>

<pallas_src>
import functools

import jax
import jax.numpy as jnp
from jax import lax
from jax.experimental import pallas as pl
from jax.experimental.pallas import tpu as pltpu
from jax.experimental.pallas import tpu_sc as plsc

VOCAB = 8192
B, T = 8, 512
N = B * T
NW = 32
ROWS_PER_W = N // NW
CH = 4
NCH = ROWS_PER_W // CH

_mesh = plsc.VectorSubcoreMesh(core_axis_name="c", subcore_axis_name="s")


@functools.partial(
    pl.kernel,
    out_type=jax.ShapeDtypeStruct((N, VOCAB), jnp.float32),
    mesh=_mesh,
    scratch_types=[
        pltpu.VMEM((2 * ROWS_PER_W,), jnp.int32),
        pltpu.VMEM((3, CH, VOCAB), jnp.float32),
        pltpu.SemaphoreType.DMA((3,)),
        pltpu.SemaphoreType.DMA((3,)),
    ],
)
def _gather_sc(idx_hbm, emb_hbm, out_hbm, idx_v, rows_v, gsem, ssem):
    wid = lax.axis_index("s") * 2 + lax.axis_index("c")
    base = wid * ROWS_PER_W
    pltpu.sync_copy(idx_hbm.at[pl.ds(2 * base, 2 * ROWS_PER_W)], idx_v)

    def gather(c, b):
        pltpu.async_copy(emb_hbm.at[idx_v.at[pl.ds(c * 8, CH)]],
                         rows_v.at[b], gsem.at[b])

    def wait_g(b):
        pltpu.make_async_copy(emb_hbm.at[pl.ds(0, CH)], rows_v.at[b],
                              gsem.at[b]).wait()

    def store(c, b):
        pltpu.async_copy(rows_v.at[b],
                         out_hbm.at[pl.ds(base + c * CH, CH)], ssem.at[b])

    def wait_s(b):
        pltpu.make_async_copy(rows_v.at[b], out_hbm.at[pl.ds(base, CH)],
                              ssem.at[b]).wait()

    gather(0, 0)
    gather(1, 1)
    gather(2, 2)
    wait_g(0)
    store(0, 0)
    wait_s(0)
    gather(3, 0)
    wait_g(1)
    store(1, 1)
    wait_s(1)
    gather(4, 1)
    wait_g(2)
    store(2, 2)

    def body(g, carry):
        c = g * 3
        for k in range(3):
            ck = c + k
            wait_s((ck + 2) % 3)
            gather_c = ck + 2
            pltpu.async_copy(
                emb_hbm.at[idx_v.at[pl.ds(gather_c * 8, CH)]],
                rows_v.at[(k + 2) % 3], gsem.at[(k + 2) % 3])
            wait_g(k)
            store(ck, k)
        return carry

    lax.fori_loop(1, NCH // 3, body, 0)

    wait_g(0)
    store(NCH - 2, 0)
    wait_g(1)
    store(NCH - 1, 1)
    wait_s(2)
    wait_s(0)
    wait_s(1)


def kernel(x, emb):
    xc = x.reshape(N // CH, CH)
    xp = jnp.concatenate([xc, jnp.zeros_like(xc)], axis=1).reshape(2 * N)
    return _gather_sc(xp, emb).reshape(B, T, VOCAB)

# --- scband reference (transcript-rebuilt; emitter-appended) ---
"""Pipeline reference for scband-bi-gram-model-89739046683001 (READ-ONLY COPY).

The authoritative reference and input builder live on the scoring server;
editing this copy changes nothing except your own understanding.
"""

import jax, jax.numpy as jnp
import numpy as np

VOCAB = 8192
B, T = 8, 512

def setup_inputs(seed: int = 0) -> dict:
    key = jax.random.key(seed)
    k1, k2 = jax.random.split(key)
    x = jax.random.randint(k1, (B, T), 0, VOCAB, dtype=jnp.int32)
    # nn.Embedding(vocab_size, vocab_size) weight table
    emb = jax.random.normal(k2, (VOCAB, VOCAB), dtype=jnp.float32)
    return {"x": x, "emb": emb}

def reference(x, emb):
    # BiGramModel.forward with y=None: logits = self.emb(x); returns (logits, None).
    # The None branch is dropped; we return the logits array.
    logits = jnp.take(emb, x, axis=0)  # [B, T, VOCAB]
    return logits

if __name__ == "__main__":
    import jax
    _d = setup_inputs()
    print(jax.jit(kernel)(*tuple(_d.values())))

</pallas_src>

<mosaic_0001>
#map = affine_map<(d0, d1) -> (0)>
#map1 = affine_map<(d0, d1) -> (0, 0)>
module attributes {stable_mosaic.version = 14 : i64} {
  func.func @_gather_sc(%arg0: i32, %arg1: i32, %arg2: memref<8192xi32, #tpu.memory_space<hbm>>, %arg3: memref<8192x8192xf32, #tpu.memory_space<hbm>>, %arg4: memref<4096x8192xf32, #tpu.memory_space<hbm>>, %arg5: memref<256xi32, #tpu.memory_space<vmem>>, %arg6: memref<3x4x8192xf32, #tpu.memory_space<vmem>>, %arg7: memref<3x!tpu.dma_semaphore, #tpu.memory_space<semaphore_mem>>, %arg8: memref<3x!tpu.dma_semaphore, #tpu.memory_space<semaphore_mem>>) attributes {dimension_semantics = [#tpu.dimension_semantics<core_parallel>, #tpu.dimension_semantics<subcore_parallel>], iteration_bounds = array<i64: 2, 16>, scalar_prefetch = 0 : i64, scratch_operands = 4 : i64, tpu.core_type = #tpu.core_type<sc_vector_subcore>, window_params = [{transform_indices = #map}, {transform_indices = #map1}, {transform_indices = #map1}]} {
    %mul3A = arith.constant 2 : i32
    %mul3A_0 = arith.muli %arg1, %mul3A : i32
    %add3A = arith.addi %mul3A_0, %arg0 : i32
    %mul3A_1 = arith.constant 128 : i32
    %mul3A_2 = arith.muli %add3A, %mul3A_1 : i32
    %mul3A_3 = arith.constant 2 : i32
    %mul3A_4 = arith.muli %mul3A_3, %mul3A_2 : i32
    "tpu.region"() ({
      %run_scoped3A = tpu.sem_alloc : memref<!tpu.dma_semaphore, #tpu.memory_space<semaphore_mem>>
      %dma_start3A_333 = tpu.memref_slice %arg2[%mul3A_4] : memref<8192xi32, #tpu.memory_space<hbm>> -> memref<256xi32, #tpu.memory_space<hbm>>
      %dma_start3A_334 = tpu.memref_slice %arg2[%mul3A_4] : memref<8192xi32, #tpu.memory_space<hbm>> -> memref<256xi32, #tpu.memory_space<hbm>>
      tpu.enqueue_dma source(%dma_start3A_334 : memref<256xi32, #tpu.memory_space<hbm>>) target(%arg5 : memref<256xi32, #tpu.memory_space<vmem>>) target_semaphore(%run_scoped3A : memref<!tpu.dma_semaphore, #tpu.memory_space<semaphore_mem>>)
      %dma_wait3A_335 = tpu.memref_slice %arg2[%mul3A_4] : memref<8192xi32, #tpu.memory_space<hbm>> -> memref<256xi32, #tpu.memory_space<hbm>>
      %dma_wait3A_336 = tpu.memref_slice %arg2[%mul3A_4] : memref<8192xi32, #tpu.memory_space<hbm>> -> memref<256xi32, #tpu.memory_space<hbm>>
      tpu.wait_dma2 semaphore(%run_scoped3A : memref<!tpu.dma_semaphore, #tpu.memory_space<semaphore_mem>>) src(%dma_wait3A_336 : memref<256xi32, #tpu.memory_space<hbm>>) dst(%arg5 : memref<256xi32, #tpu.memory_space<vmem>>)
      tpu.yield
    }) : () -> ()
    %dma_start3A = arith.constant 0 : i32
    %dma_start3A_5 = arith.constant 0 : i32
    %dma_start3A_6 = arith.constant 0 : i32
    %dma_start3A_7 = arith.constant 0 : i32
    %dma_start3A_8 = tpu.memref_slice %arg6[%dma_start3A, %dma_start3A_6, %dma_start3A_7] : memref<3x4x8192xf32, #tpu.memory_space<vmem>> -> memref<1x4x8192xf32, #tpu.memory_space<vmem>>
    %dma_start3A_9 = tpu.memref_squeeze %dma_start3A_8 : memref<1x4x8192xf32, #tpu.memory_space<vmem>> -> memref<4x8192xf32, #tpu.memory_space<vmem>>
    %dma_start3A_10 = arith.constant 0 : i32
    %dma_start3A_11 = tpu.memref_slice %arg5[%dma_start3A_10] : memref<256xi32, #tpu.memory_space<vmem>> -> memref<4xi32, #tpu.memory_space<vmem>>
    %dma_start3A_12 = arith.constant 0 : i32
    %dma_start3A_13 = arith.constant 0 : i32
    %dma_start3A_14 = tpu.memref_slice %arg3[%dma_start3A_12, %dma_start3A_13] : memref<8192x8192xf32, #tpu.memory_space<hbm>> -> memref<8192x8192xf32, #tpu.memory_space<hbm>>
    %dma_start3A_15 = tpu.memref_slice %arg7[%dma_start3A_5] : memref<3x!tpu.dma_semaphore, #tpu.memory_space<semaphore_mem>> -> memref<1x!tpu.dma_semaphore, #tpu.memory_space<semaphore_mem>>
    %dma_start3A_16 = tpu.memref_squeeze %dma_start3A_15 : memref<1x!tpu.dma_semaphore, #tpu.memory_space<semaphore_mem>> -> memref<!tpu.dma_semaphore, #tpu.memory_space<semaphore_mem>>
    tpu.enqueue_indirect_dma source(%dma_start3A_14 : memref<8192x8192xf32, #tpu.memory_space<hbm>>) target(%dma_start3A_9 : memref<4x8192xf32, #tpu.memory_space<vmem>>) offsets(%dma_start3A_11 : memref<4xi32, #tpu.memory_space<vmem>>) semaphore(%dma_start3A_16 : memref<!tpu.dma_semaphore, #tpu.memory_space<semaphore_mem>>)
    %dma_start3A_17 = arith.constant 1 : i32
    %dma_start3A_18 = arith.constant 1 : i32
    %dma_start3A_19 = arith.constant 0 : i32
    %dma_start3A_20 = arith.constant 0 : i32
    %dma_start3A_21 = tpu.memref_slice %arg6[%dma_start3A_17, %dma_start3A_19, %dma_start3A_20] : memref<3x4x8192xf32, #tpu.memory_space<vmem>> -> memref<1x4x8192xf32, #tpu.memory_space<vmem>>
    %dma_start3A_22 = tpu.memref_squeeze %dma_start3A_21 : memref<1x4x8192xf32, #tpu.memory_space<vmem>> -> memref<4x8192xf32, #tpu.memory_space<vmem>>
    %dma_start3A_23 = arith.constant 8 : i32
    %dma_start3A_24 = tpu.memref_slice %arg5[%dma_start3A_23] : memref<256xi32, #tpu.memory_space<vmem>> -> memref<4xi32, #tpu.memory_space<vmem>>
    %dma_start3A_25 = arith.constant 0 : i32
    %dma_start3A_26 = arith.constant 0 : i32
    %dma_start3A_27 = tpu.memref_slice %arg3[%dma_start3A_25, %dma_start3A_26] : memref<8192x8192xf32, #tpu.memory_space<hbm>> -> memref<8192x8192xf32, #tpu.memory_space<hbm>>
    %dma_start3A_28 = tpu.memref_slice %arg7[%dma_start3A_18] : memref<3x!tpu.dma_semaphore, #tpu.memory_space<semaphore_mem>> -> memref<1x!tpu.dma_semaphore, #tpu.memory_space<semaphore_mem>>
    %dma_start3A_29 = tpu.memref_squeeze %dma_start3A_28 : memref<1x!tpu.dma_semaphore, #tpu.memory_space<semaphore_mem>> -> memref<!tpu.dma_semaphore, #tpu.memory_space<semaphore_mem>>
    tpu.enqueue_indirect_dma source(%dma_start3A_27 : memref<8192x8192xf32, #tpu.memory_space<hbm>>) target(%dma_start3A_22 : memref<4x8192xf32, #tpu.memory_space<vmem>>) offsets(%dma_start3A_24 : memref<4xi32, #tpu.memory_space<vmem>>) semaphore(%dma_start3A_29 : memref<!tpu.dma_semaphore, #tpu.memory_space<semaphore_mem>>)
    %dma_start3A_30 = arith.constant 2 : i32
    %dma_start3A_31 = arith.constant 2 : i32
    %dma_start3A_32 = arith.constant 0 : i32
    %dma_start3A_33 = arith.constant 0 : i32
    %dma_start3A_34 = tpu.memref_slice %arg6[%dma_start3A_30, %dma_start3A_32, %dma_start3A_33] : memref<3x4x8192xf32, #tpu.memory_space<vmem>> -> memref<1x4x8192xf32, #tpu.memory_space<vmem>>
    %dma_start3A_35 = tpu.memref_squeeze %dma_start3A_34 : memref<1x4x8192xf32, #tpu.memory_space<vmem>> -> memref<4x8192xf32, #tpu.memory_space<vmem>>
    %dma_start3A_36 = arith.constant 16 : i32
    %dma_start3A_37 = tpu.memref_slice %arg5[%dma_start3A_36] : memref<256xi32, #tpu.memory_space<vmem>> -> memref<4xi32, #tpu.memory_space<vmem>>
    %dma_start3A_38 = arith.constant 0 : i32
    %dma_start3A_39 = arith.constant 0 : i32
    %dma_start3A_40 = tpu.memref_slice %arg3[%dma_start3A_38, %dma_start3A_39] : memref<8192x8192xf32, #tpu.memory_space<hbm>> -> memref<8192x8192xf32, #tpu.memory_space<hbm>>
    %dma_start3A_41 = tpu.memref_slice %arg7[%dma_start3A_31] : memref<3x!tpu.dma_semaphore, #tpu.memory_space<semaphore_mem>> -> memref<1x!tpu.dma_semaphore, #tpu.memory_space<semaphore_mem>>
    %dma_start3A_42 = tpu.memref_squeeze %dma_start3A_41 : memref<1x!tpu.dma_semaphore, #tpu.memory_space<semaphore_mem>> -> memref<!tpu.dma_semaphore, #tpu.memory_space<semaphore_mem>>
    tpu.enqueue_indirect_dma source(%dma_start3A_40 : memref<8192x8192xf32, #tpu.memory_space<hbm>>) target(%dma_start3A_35 : memref<4x8192xf32, #tpu.memory_space<vmem>>) offsets(%dma_start3A_37 : memref<4xi32, #tpu.memory_space<vmem>>) semaphore(%dma_start3A_42 : memref<!tpu.dma_semaphore, #tpu.memory_space<semaphore_mem>>)
    %dma_wait3A = arith.constant 0 : i32
    %dma_wait3A_43 = arith.constant 0 : i32
    %dma_wait3A_44 = arith.constant 0 : i32
    %dma_wait3A_45 = arith.constant 0 : i32
    %dma_wait3A_46 = tpu.memref_slice %arg6[%dma_wait3A, %dma_wait3A_44, %dma_wait3A_45] : memref<3x4x8192xf32, #tpu.memory_space<vmem>> -> memref<1x4x8192xf32, #tpu.memory_space<vmem>>
    %dma_wait3A_47 = tpu.memref_squeeze %dma_wait3A_46 : memref<1x4x8192xf32, #tpu.memory_space<vmem>> -> memref<4x8192xf32, #tpu.memory_space<vmem>>
    %dma_wait3A_48 = arith.constant 0 : i32
    %dma_wait3A_49 = arith.constant 0 : i32
    %dma_wait3A_50 = tpu.memref_slice %arg3[%dma_wait3A_48, %dma_wait3A_49] : memref<8192x8192xf32, #tpu.memory_space<hbm>> -> memref<4x8192xf32, #tpu.memory_space<hbm>>
    %dma_wait3A_51 = tpu.memref_slice %arg7[%dma_wait3A_43] : memref<3x!tpu.dma_semaphore, #tpu.memory_space<semaphore_mem>> -> memref<1x!tpu.dma_semaphore, #tpu.memory_space<semaphore_mem>>
    %dma_wait3A_52 = tpu.memref_squeeze %dma_wait3A_51 : memref<1x!tpu.dma_semaphore, #tpu.memory_space<semaphore_mem>> -> memref<!tpu.dma_semaphore, #tpu.memory_space<semaphore_mem>>
    %dma_wait3A_53 = arith.constant 0 : i32
    %dma_wait3A_54 = arith.constant 0 : i32
    %dma_wait3A_55 = tpu.memref_slice %arg6[%dma_wait3A, %dma_wait3A_53, %dma_wait3A_54] : memref<3x4x8192xf32, #tpu.memory_space<vmem>> -> memref<1x4x8192xf32, #tpu.memory_space<vmem>>
    %dma_wait3A_56 = tpu.memref_squeeze %dma_wait3A_55 : memref<1x4x8192xf32, #tpu.memory_space<vmem>> -> memref<4x8192xf32, #tpu.memory_space<vmem>>
    %dma_wait3A_57 = arith.constant 0 : i32
    %dma_wait3A_58 = arith.constant 0 : i32
    %dma_wait3A_59 = tpu.memref_slice %arg3[%dma_wait3A_57, %dma_wait3A_58] : memref<8192x8192xf32, #tpu.memory_space<hbm>> -> memref<4x8192xf32, #tpu.memory_space<hbm>>
    tpu.wait_dma2 semaphore(%dma_wait3A_52 : memref<!tpu.dma_semaphore, #tpu.memory_space<semaphore_mem>>) src(%dma_wait3A_59 : memref<4x8192xf32, #tpu.memory_space<hbm>>) dst(%dma_wait3A_56 : memref<4x8192xf32, #tpu.memory_space<vmem>>)
    %add3A_60 = arith.constant 0 : i32
    %add3A_61 = arith.addi %mul3A_2, %add3A_60 : i32
    %dma_start3A_62 = arith.constant 0 : i32
    %dma_start3A_63 = arith.constant 0 : i32
    %dma_start3A_64 = arith.constant 0 : i32
    %dma_start3A_65 = arith.constant 0 : i32
    %dma_start3A_66 = tpu.memref_slice %arg6[%dma_start3A_62, %dma_start3A_64, %dma_start3A_65] : memref<3x4x8192xf32, #tpu.memory_space<vmem>> -> memref<1x4x8192xf32, #tpu.memory_space<vmem>>
    %dma_start3A_67 = tpu.memref_squeeze %dma_start3A_66 : memref<1x4x8192xf32, #tpu.memory_space<vmem>> -> memref<4x8192xf32, #tpu.memory_space<vmem>>
    %dma_start3A_68 = arith.constant 0 : i32
    %dma_start3A_69 = tpu.memref_slice %arg4[%add3A_61, %dma_start3A_68] : memref<4096x8192xf32, #tpu.memory_space<hbm>> -> memref<4x8192xf32, #tpu.memory_space<hbm>>
    %dma_start3A_70 = tpu.memref_slice %arg8[%dma_start3A_63] : memref<3x!tpu.dma_semaphore, #tpu.memory_space<semaphore_mem>> -> memref<1x!tpu.dma_semaphore, #tpu.memory_space<semaphore_mem>>
    %dma_start3A_71 = tpu.memref_squeeze %dma_start3A_70 : memref<1x!tpu.dma_semaphore, #tpu.memory_space<semaphore_mem>> -> memref<!tpu.dma_semaphore, #tpu.memory_space<semaphore_mem>>
    %dma_start3A_72 = arith.constant 0 : i32
    %dma_start3A_73 = tpu.memref_slice %arg4[%add3A_61, %dma_start3A_72] : memref<4096x8192xf32, #tpu.memory_space<hbm>> -> memref<4x8192xf32, #tpu.memory_space<hbm>>
    %dma_start3A_74 = arith.constant 0 : i32
    %dma_start3A_75 = arith.constant 0 : i32
    %dma_start3A_76 = tpu.memref_slice %arg6[%dma_start3A_62, %dma_start3A_74, %dma_start3A_75] : memref<3x4x8192xf32, #tpu.memory_space<vmem>> -> memref<1x4x8192xf32, #tpu.memory_space<vmem>>
    %dma_start3A_77 = tpu.memref_squeeze %dma_start3A_76 : memref<1x4x8192xf32, #tpu.memory_space<vmem>> -> memref<4x8192xf32, #tpu.memory_space<vmem>>
    tpu.enqueue_dma source(%dma_start3A_77 : memref<4x8192xf32, #tpu.memory_space<vmem>>) target(%dma_start3A_73 : memref<4x8192xf32, #tpu.memory_space<hbm>>) target_semaphore(%dma_start3A_71 : memref<!tpu.dma_semaphore, #tpu.memory_space<semaphore_mem>>)
    %dma_wait3A_78 = arith.constant 0 : i32
    %dma_wait3A_79 = arith.constant 0 : i32
    %dma_wait3A_80 = arith.constant 0 : i32
    %dma_wait3A_81 = arith.constant 0 : i32
    %dma_wait3A_82 = tpu.memref_slice %arg6[%dma_wait3A_78, %dma_wait3A_80, %dma_wait3A_81] : memref<3x4x8192xf32, #tpu.memory_space<vmem>> -> memref<1x4x8192xf32, #tpu.memory_space<vmem>>
    %dma_wait3A_83 = tpu.memref_squeeze %dma_wait3A_82 : memref<1x4x8192xf32, #tpu.memory_space<vmem>> -> memref<4x8192xf32, #tpu.memory_space<vmem>>
    %dma_wait3A_84 = arith.constant 0 : i32
    %dma_wait3A_85 = tpu.memref_slice %arg4[%mul3A_2, %dma_wait3A_84] : memref<4096x8192xf32, #tpu.memory_space<hbm>> -> memref<4x8192xf32, #tpu.memory_space<hbm>>
    %dma_wait3A_86 = tpu.memref_slice %arg8[%dma_wait3A_79] : memref<3x!tpu.dma_semaphore, #tpu.memory_space<semaphore_mem>> -> memref<1x!tpu.dma_semaphore, #tpu.memory_space<semaphore_mem>>
    %dma_wait3A_87 = tpu.memref_squeeze %dma_wait3A_86 : memref<1x!tpu.dma_semaphore, #tpu.memory_space<semaphore_mem>> -> memref<!tpu.dma_semaphore, #tpu.memory_space<semaphore_mem>>
    %dma_wait3A_88 = arith.constant 0 : i32
    %dma_wait3A_89 = tpu.memref_slice %arg4[%mul3A_2, %dma_wait3A_88] : memref<4096x8192xf32, #tpu.memory_space<hbm>> -> memref<4x8192xf32, #tpu.memory_space<hbm>>
    %dma_wait3A_90 = arith.constant 0 : i32
    %dma_wait3A_91 = arith.constant 0 : i32
    %dma_wait3A_92 = tpu.memref_slice %arg6[%dma_wait3A_78, %dma_wait3A_90, %dma_wait3A_91] : memref<3x4x8192xf32, #tpu.memory_space<vmem>> -> memref<1x4x8192xf32, #tpu.memory_space<vmem>>
    %dma_wait3A_93 = tpu.memref_squeeze %dma_wait3A_92 : memref<1x4x8192xf32, #tpu.memory_space<vmem>> -> memref<4x8192xf32, #tpu.memory_space<vmem>>
    tpu.wait_dma2 semaphore(%dma_wait3A_87 : memref<!tpu.dma_semaphore, #tpu.memory_space<semaphore_mem>>) src(%dma_wait3A_93 : memref<4x8192xf32, #tpu.memory_space<vmem>>) dst(%dma_wait3A_89 : memref<4x8192xf32, #tpu.memory_space<hbm>>)
    %dma_start3A_94 = arith.constant 0 : i32
    %dma_start3A_95 = arith.constant 0 : i32
    %dma_start3A_96 = arith.constant 0 : i32
    %dma_start3A_97 = arith.constant 0 : i32
    %dma_start3A_98 = tpu.memref_slice %arg6[%dma_start3A_94, %dma_start3A_96, %dma_start3A_97] : memref<3x4x8192xf32, #tpu.memory_space<vmem>> -> memref<1x4x8192xf32, #tpu.memory_space<vmem>>
    %dma_start3A_99 = tpu.memref_squeeze %dma_start3A_98 : memref<1x4x8192xf32, #tpu.memory_space<vmem>> -> memref<4x8192xf32, #tpu.memory_space<vmem>>
    %dma_start3A_100 = arith.constant 24 : i32
    %dma_start3A_101 = tpu.memref_slice %arg5[%dma_start3A_100] : memref<256xi32, #tpu.memory_space<vmem>> -> memref<4xi32, #tpu.memory_space<vmem>>
    %dma_start3A_102 = arith.constant 0 : i32
    %dma_start3A_103 = arith.constant 0 : i32
    %dma_start3A_104 = tpu.memref_slice %arg3[%dma_start3A_102, %dma_start3A_103] : memref<8192x8192xf32, #tpu.memory_space<hbm>> -> memref<8192x8192xf32, #tpu.memory_space<hbm>>
    %dma_start3A_105 = tpu.memref_slice %arg7[%dma_start3A_95] : memref<3x!tpu.dma_semaphore, #tpu.memory_space<semaphore_mem>> -> memref<1x!tpu.dma_semaphore, #tpu.memory_space<semaphore_mem>>
    %dma_start3A_106 = tpu.memref_squeeze %dma_start3A_105 : memref<1x!tpu.dma_semaphore, #tpu.memory_space<semaphore_mem>> -> memref<!tpu.dma_semaphore, #tpu.memory_space<semaphore_mem>>
    tpu.enqueue_indirect_dma source(%dma_start3A_104 : memref<8192x8192xf32, #tpu.memory_space<hbm>>) target(%dma_start3A_99 : memref<4x8192xf32, #tpu.memory_space<vmem>>) offsets(%dma_start3A_101 : memref<4xi32, #tpu.memory_space<vmem>>) semaphore(%dma_start3A_106 : memref<!tpu.dma_semaphore, #tpu.memory_space<semaphore_mem>>)
    %dma_wait3A_107 = arith.constant 1 : i32
    %dma_wait3A_108 = arith.constant 1 : i32
    %dma_wait3A_109 = arith.constant 0 : i32
    %dma_wait3A_110 = arith.constant 0 : i32
    %dma_wait3A_111 = tpu.memref_slice %arg6[%dma_wait3A_107, %dma_wait3A_109, %dma_wait3A_110] : memref<3x4x8192xf32, #tpu.memory_space<vmem>> -> memref<1x4x8192xf32, #tpu.memory_space<vmem>>
    %dma_wait3A_112 = tpu.memref_squeeze %dma_wait3A_111 : memref<1x4x8192xf32, #tpu.memory_space<vmem>> -> memref<4x8192xf32, #tpu.memory_space<vmem>>
    %dma_wait3A_113 = arith.constant 0 : i32
    %dma_wait3A_114 = arith.constant 0 : i32
    %dma_wait3A_115 = tpu.memref_slice %arg3[%dma_wait3A_113, %dma_wait3A_114] : memref<8192x8192xf32, #tpu.memory_space<hbm>> -> memref<4x8192xf32, #tpu.memory_space<hbm>>
    %dma_wait3A_116 = tpu.memref_slice %arg7[%dma_wait3A_108] : memref<3x!tpu.dma_semaphore, #tpu.memory_space<semaphore_mem>> -> memref<1x!tpu.dma_semaphore, #tpu.memory_space<semaphore_mem>>
    %dma_wait3A_117 = tpu.memref_squeeze %dma_wait3A_116 : memref<1x!tpu.dma_semaphore, #tpu.memory_space<semaphore_mem>> -> memref<!tpu.dma_semaphore, #tpu.memory_space<semaphore_mem>>
    %dma_wait3A_118 = arith.constant 0 : i32
    %dma_wait3A_119 = arith.constant 0 : i32
    %dma_wait3A_120 = tpu.memref_slice %arg6[%dma_wait3A_107, %dma_wait3A_118, %dma_wait3A_119] : memref<3x4x8192xf32, #tpu.memory_space<vmem>> -> memref<1x4x8192xf32, #tpu.memory_space<vmem>>
    %dma_wait3A_121 = tpu.memref_squeeze %dma_wait3A_120 : memref<1x4x8192xf32, #tpu.memory_space<vmem>> -> memref<4x8192xf32, #tpu.memory_space<vmem>>
    %dma_wait3A_122 = arith.constant 0 : i32
    %dma_wait3A_123 = arith.constant 0 : i32
    %dma_wait3A_124 = tpu.memref_slice %arg3[%dma_wait3A_122, %dma_wait3A_123] : memref<8192x8192xf32, #tpu.memory_space<hbm>> -> memref<4x8192xf32, #tpu.memory_space<hbm>>
    tpu.wait_dma2 semaphore(%dma_wait3A_117 : memref<!tpu.dma_semaphore, #tpu.memory_space<semaphore_mem>>) src(%dma_wait3A_124 : memref<4x8192xf32, #tpu.memory_space<hbm>>) dst(%dma_wait3A_121 : memref<4x8192xf32, #tpu.memory_space<vmem>>)
    %add3A_125 = arith.constant 4 : i32
    %add3A_126 = arith.addi %mul3A_2, %add3A_125 : i32
    %dma_start3A_127 = arith.constant 1 : i32
    %dma_start3A_128 = arith.constant 1 : i32
    %dma_start3A_129 = arith.constant 0 : i32
    %dma_start3A_130 = arith.constant 0 : i32
    %dma_start3A_131 = tpu.memref_slice %arg6[%dma_start3A_127, %dma_start3A_129, %dma_start3A_130] : memref<3x4x8192xf32, #tpu.memory_space<vmem>> -> memref<1x4x8192xf32, #tpu.memory_space<vmem>>
    %dma_start3A_132 = tpu.memref_squeeze %dma_start3A_131 : memref<1x4x8192xf32, #tpu.memory_space<vmem>> -> memref<4x8192xf32, #tpu.memory_space<vmem>>
    %dma_start3A_133 = arith.constant 0 : i32
    %dma_start3A_134 = tpu.memref_slice %arg4[%add3A_126, %dma_start3A_133] : memref<4096x8192xf32, #tpu.memory_space<hbm>> -> memref<4x8192xf32, #tpu.memory_space<hbm>>
    %dma_start3A_135 = tpu.memref_slice %arg8[%dma_start3A_128] : memref<3x!tpu.dma_semaphore, #tpu.memory_space<semaphore_mem>> -> memref<1x!tpu.dma_semaphore, #tpu.memory_space<semaphore_mem>>
    %dma_start3A_136 = tpu.memref_squeeze %dma_start3A_135 : memref<1x!tpu.dma_semaphore, #tpu.memory_space<semaphore_mem>> -> memref<!tpu.dma_semaphore, #tpu.memory_space<semaphore_mem>>
    %dma_start3A_137 = arith.constant 0 : i32
    %dma_start3A_138 = tpu.memref_slice %arg4[%add3A_126, %dma_start3A_137] : memref<4096x8192xf32, #tpu.memory_space<hbm>> -> memref<4x8192xf32, #tpu.memory_space<hbm>>
    %dma_start3A_139 = arith.constant 0 : i32
    %dma_start3A_140 = arith.constant 0 : i32
    %dma_start3A_141 = tpu.memref_slice %arg6[%dma_start3A_127, %dma_start3A_139, %dma_start3A_140] : memref<3x4x8192xf32, #tpu.memory_space<vmem>> -> memref<1x4x8192xf32, #tpu.memory_space<vmem>>
    %dma_start3A_142 = tpu.memref_squeeze %dma_start3A_141 : memref<1x4x8192xf32, #tpu.memory_space<vmem>> -> memref<4x8192xf32, #tpu.memory_space<vmem>>
    tpu.enqueue_dma source(%dma_start3A_142 : memref<4x8192xf32, #tpu.memory_space<vmem>>) target(%dma_start3A_138 : memref<4x8192xf32, #tpu.memory_space<hbm>>) target_semaphore(%dma_start3A_136 : memref<!tpu.dma_semaphore, #tpu.memory_space<semaphore_mem>>)
    %dma_wait3A_143 = arith.constant 1 : i32
    %dma_wait3A_144 = arith.constant 1 : i32
    %dma_wait3A_145 = arith.constant 0 : i32
    %dma_wait3A_146 = arith.constant 0 : i32
    %dma_wait3A_147 = tpu.memref_slice %arg6[%dma_wait3A_143, %dma_wait3A_145, %dma_wait3A_146] : memref<3x4x8192xf32, #tpu.memory_space<vmem>> -> memref<1x4x8192xf32, #tpu.memory_space<vmem>>
    %dma_wait3A_148 = tpu.memref_squeeze %dma_wait3A_147 : memref<1x4x8192xf32, #tpu.memory_space<vmem>> -> memref<4x8192xf32, #tpu.memory_space<vmem>>
    %dma_wait3A_149 = arith.constant 0 : i32
    %dma_wait3A_150 = tpu.memref_slice %arg4[%mul3A_2, %dma_wait3A_149] : memref<4096x8192xf32, #tpu.memory_space<hbm>> -> memref<4x8192xf32, #tpu.memory_space<hbm>>
    %dma_wait3A_151 = tpu.memref_slice %arg8[%dma_wait3A_144] : memref<3x!tpu.dma_semaphore, #tpu.memory_space<semaphore_mem>> -> memref<1x!tpu.dma_semaphore, #tpu.memory_space<semaphore_mem>>
    %dma_wait3A_152 = tpu.memref_squeeze %dma_wait3A_151 : memref<1x!tpu.dma_semaphore, #tpu.memory_space<semaphore_mem>> -> memref<!tpu.dma_semaphore, #tpu.memory_space<semaphore_mem>>
    %dma_wait3A_153 = arith.constant 0 : i32
    %dma_wait3A_154 = tpu.memref_slice %arg4[%mul3A_2, %dma_wait3A_153] : memref<4096x8192xf32, #tpu.memory_space<hbm>> -> memref<4x8192xf32, #tpu.memory_space<hbm>>
    %dma_wait3A_155 = arith.constant 0 : i32
    %dma_wait3A_156 = arith.constant 0 : i32
    %dma_wait3A_157 = tpu.memref_slice %arg6[%dma_wait3A_143, %dma_wait3A_155, %dma_wait3A_156] : memref<3x4x8192xf32, #tpu.memory_space<vmem>> -> memref<1x4x8192xf32, #tpu.memory_space<vmem>>
    %dma_wait3A_158 = tpu.memref_squeeze %dma_wait3A_157 : memref<1x4x8192xf32, #tpu.memory_space<vmem>> -> memref<4x8192xf32, #tpu.memory_space<vmem>>
    tpu.wait_dma2 semaphore(%dma_wait3A_152 : memref<!tpu.dma_semaphore, #tpu.memory_space<semaphore_mem>>) src(%dma_wait3A_158 : memref<4x8192xf32, #tpu.memory_space<vmem>>) dst(%dma_wait3A_154 : memref<4x8192xf32, #tpu.memory_space<hbm>>)
    %dma_start3A_159 = arith.constant 1 : i32
    %dma_start3A_160 = arith.constant 1 : i32
    %dma_start3A_161 = arith.constant 0 : i32
    %dma_start3A_162 = arith.constant 0 : i32
    %dma_start3A_163 = tpu.memref_slice %arg6[%dma_start3A_159, %dma_start3A_161, %dma_start3A_162] : memref<3x4x8192xf32, #tpu.memory_space<vmem>> -> memref<1x4x8192xf32, #tpu.memory_space<vmem>>
    %dma_start3A_164 = tpu.memref_squeeze %dma_start3A_163 : memref<1x4x8192xf32, #tpu.memory_space<vmem>> -> memref<4x8192xf32, #tpu.memory_space<vmem>>
    %dma_start3A_165 = arith.constant 32 : i32
    %dma_start3A_166 = tpu.memref_slice %arg5[%dma_start3A_165] : memref<256xi32, #tpu.memory_space<vmem>> -> memref<4xi32, #tpu.memory_space<vmem>>
    %dma_start3A_167 = arith.constant 0 : i32
    %dma_start3A_168 = arith.constant 0 : i32
    %dma_start3A_169 = tpu.memref_slice %arg3[%dma_start3A_167, %dma_start3A_168] : memref<8192x8192xf32, #tpu.memory_space<hbm>> -> memref<8192x8192xf32, #tpu.memory_space<hbm>>
    %dma_start3A_170 = tpu.memref_slice %arg7[%dma_start3A_160] : memref<3x!tpu.dma_semaphore, #tpu.memory_space<semaphore_mem>> -> memref<1x!tpu.dma_semaphore, #tpu.memory_space<semaphore_mem>>
    %dma_start3A_171 = tpu.memref_squeeze %dma_start3A_170 : memref<1x!tpu.dma_semaphore, #tpu.memory_space<semaphore_mem>> -> memref<!tpu.dma_semaphore, #tpu.memory_space<semaphore_mem>>
    tpu.enqueue_indirect_dma source(%dma_start3A_169 : memref<8192x8192xf32, #tpu.memory_space<hbm>>) target(%dma_start3A_164 : memref<4x8192xf32, #tpu.memory_space<vmem>>) offsets(%dma_start3A_166 : memref<4xi32, #tpu.memory_space<vmem>>) semaphore(%dma_start3A_171 : memref<!tpu.dma_semaphore, #tpu.memory_space<semaphore_mem>>)
    %dma_wait3A_172 = arith.constant 2 : i32
    %dma_wait3A_173 = arith.constant 2 : i32
    %dma_wait3A_174 = arith.constant 0 : i32
    %dma_wait3A_175 = arith.constant 0 : i32
    %dma_wait3A_176 = tpu.memref_slice %arg6[%dma_wait3A_172, %dma_wait3A_174, %dma_wait3A_175] : memref<3x4x8192xf32, #tpu.memory_space<vmem>> -> memref<1x4x8192xf32, #tpu.memory_space<vmem>>
    %dma_wait3A_177 = tpu.memref_squeeze %dma_wait3A_176 : memref<1x4x8192xf32, #tpu.memory_space<vmem>> -> memref<4x8192xf32, #tpu.memory_space<vmem>>
    %dma_wait3A_178 = arith.constant 0 : i32
    %dma_wait3A_179 = arith.constant 0 : i32
    %dma_wait3A_180 = tpu.memref_slice %arg3[%dma_wait3A_178, %dma_wait3A_179] : memref<8192x8192xf32, #tpu.memory_space<hbm>> -> memref<4x8192xf32, #tpu.memory_space<hbm>>
    %dma_wait3A_181 = tpu.memref_slice %arg7[%dma_wait3A_173] : memref<3x!tpu.dma_semaphore, #tpu.memory_space<semaphore_mem>> -> memref<1x!tpu.dma_semaphore, #tpu.memory_space<semaphore_mem>>
    %dma_wait3A_182 = tpu.memref_squeeze %dma_wait3A_181 : memref<1x!tpu.dma_semaphore, #tpu.memory_space<semaphore_mem>> -> memref<!tpu.dma_semaphore, #tpu.memory_space<semaphore_mem>>
    %dma_wait3A_183 = arith.constant 0 : i32
    %dma_wait3A_184 = arith.constant 0 : i32
    %dma_wait3A_185 = tpu.memref_slice %arg6[%dma_wait3A_172, %dma_wait3A_183, %dma_wait3A_184] : memref<3x4x8192xf32, #tpu.memory_space<vmem>> -> memref<1x4x8192xf32, #tpu.memory_space<vmem>>
    %dma_wait3A_186 = tpu.memref_squeeze %dma_wait3A_185 : memref<1x4x8192xf32, #tpu.memory_space<vmem>> -> memref<4x8192xf32, #tpu.memory_space<vmem>>
    %dma_wait3A_187 = arith.constant 0 : i32
    %dma_wait3A_188 = arith.constant 0 : i32
    %dma_wait3A_189 = tpu.memref_slice %arg3[%dma_wait3A_187, %dma_wait3A_188] : memref<8192x8192xf32, #tpu.memory_space<hbm>> -> memref<4x8192xf32, #tpu.memory_space<hbm>>
    tpu.wait_dma2 semaphore(%dma_wait3A_182 : memref<!tpu.dma_semaphore, #tpu.memory_space<semaphore_mem>>) src(%dma_wait3A_189 : memref<4x8192xf32, #tpu.memory_space<hbm>>) dst(%dma_wait3A_186 : memref<4x8192xf32, #tpu.memory_space<vmem>>)
    %add3A_190 = arith.constant 8 : i32
    %add3A_191 = arith.addi %mul3A_2, %add3A_190 : i32
    %dma_start3A_192 = arith.constant 2 : i32
    %dma_start3A_193 = arith.constant 2 : i32
    %dma_start3A_194 = arith.constant 0 : i32
    %dma_start3A_195 = arith.constant 0 : i32
    %dma_start3A_196 = tpu.memref_slice %arg6[%dma_start3A_192, %dma_start3A_194, %dma_start3A_195] : memref<3x4x8192xf32, #tpu.memory_space<vmem>> -> memref<1x4x8192xf32, #tpu.memory_space<vmem>>
    %dma_start3A_197 = tpu.memref_squeeze %dma_start3A_196 : memref<1x4x8192xf32, #tpu.memory_space<vmem>> -> memref<4x8192xf32, #tpu.memory_space<vmem>>
    %dma_start3A_198 = arith.constant 0 : i32
    %dma_start3A_199 = tpu.memref_slice %arg4[%add3A_191, %dma_start3A_198] : memref<4096x8192xf32, #tpu.memory_space<hbm>> -> memref<4x8192xf32, #tpu.memory_space<hbm>>
    %dma_start3A_200 = tpu.memref_slice %arg8[%dma_start3A_193] : memref<3x!tpu.dma_semaphore, #tpu.memory_space<semaphore_mem>> -> memref<1x!tpu.dma_semaphore, #tpu.memory_space<semaphore_mem>>
    %dma_start3A_201 = tpu.memref_squeeze %dma_start3A_200 : memref<1x!tpu.dma_semaphore, #tpu.memory_space<semaphore_mem>> -> memref<!tpu.dma_semaphore, #tpu.memory_space<semaphore_mem>>
    %dma_start3A_202 = arith.constant 0 : i32
    %dma_start3A_203 = tpu.memref_slice %arg4[%add3A_191, %dma_start3A_202] : memref<4096x8192xf32, #tpu.memory_space<hbm>> -> memref<4x8192xf32, #tpu.memory_space<hbm>>
    %dma_start3A_204 = arith.constant 0 : i32
    %dma_start3A_205 = arith.constant 0 : i32
    %dma_start3A_206 = tpu.memref_slice %arg6[%dma_start3A_192, %dma_start3A_204, %dma_start3A_205] : memref<3x4x8192xf32, #tpu.memory_space<vmem>> -> memref<1x4x8192xf32, #tpu.memory_space<vmem>>
    %dma_start3A_207 = tpu.memref_squeeze %dma_start3A_206 : memref<1x4x8192xf32, #tpu.memory_space<vmem>> -> memref<4x8192xf32, #tpu.memory_space<vmem>>
    tpu.enqueue_dma source(%dma_start3A_207 : memref<4x8192xf32, #tpu.memory_space<vmem>>) target(%dma_start3A_203 : memref<4x8192xf32, #tpu.memory_space<hbm>>) target_semaphore(%dma_start3A_201 : memref<!tpu.dma_semaphore, #tpu.memory_space<semaphore_mem>>)
    %scan3A = arith.constant 0 : i32
    %scan3A_208 = arith.constant 1 : i32
    %scan3A_209 = arith.constant 9 : i32
    %scan3A_210 = arith.addi %scan3A_208, %scan3A_209 : i32
    %scan3A_211 = arith.constant 1 : i32
    scf.for %scan3A_333 = %scan3A_208 to %scan3A_210 step %scan3A_211  : i32 {
      %mul3A_334 = arith.constant 3 : i32
      %mul3A_335 = arith.muli %scan3A_333, %mul3A_334 : i32
      %add3A_336 = arith.constant 0 : i32
      %add3A_337 = arith.addi %mul3A_335, %add3A_336 : i32
      %add3A_338 = arith.constant 2 : i32
      %add3A_339 = arith.addi %add3A_337, %add3A_338 : i32
      %jit3A = arith.constant 3 : i32
      %eq3A = arith.constant 0 : i32
      %eq3A_340 = arith.cmpi eq, %jit3A, %eq3A : i32
      %jit3A_341 = arith.constant 1 : i32
      %select_n3A = arith.select %eq3A_340, %jit3A_341, %jit3A : i32
      %rem3A = arith.remsi %add3A_339, %select_n3A : i32
      %ne3A = arith.constant 0 : i32
      %ne3A_342 = arith.cmpi ne, %rem3A, %ne3A : i32
      %lt3A = arith.constant 0 : i32
      %lt3A_343 = arith.cmpi slt, %rem3A, %lt3A : i32
      %lt3A_344 = arith.constant 0 : i32
      %lt3A_345 = arith.cmpi slt, %select_n3A, %lt3A_344 : i32
      %ne3A_346 = arith.xori %lt3A_343, %lt3A_345 : i1
      %and3A = arith.andi %ne3A_346, %ne3A_342 : i1
      %add3A_347 = arith.addi %rem3A, %select_n3A : i32
      %select_n3A_348 = arith.select %and3A, %add3A_347, %rem3A : i32
      %dma_wait3A_349 = arith.constant 0 : i32
      %dma_wait3A_350 = arith.constant 0 : i32
      %dma_wait3A_351 = tpu.memref_slice %arg6[%select_n3A_348, %dma_wait3A_349, %dma_wait3A_350] : memref<3x4x8192xf32, #tpu.memory_space<vmem>> -> memref<1x4x8192xf32, #tpu.memory_space<vmem>>
      %dma_wait3A_352 = tpu.memref_squeeze %dma_wait3A_351 : memref<1x4x8192xf32, #tpu.memory_space<vmem>> -> memref<4x8192xf32, #tpu.memory_space<vmem>>
      %dma_wait3A_353 = arith.constant 0 : i32
      %dma_wait3A_354 = tpu.memref_slice %arg4[%mul3A_2, %dma_wait3A_353] : memref<4096x8192xf32, #tpu.memory_space<hbm>> -> memref<4x8192xf32, #tpu.memory_space<hbm>>
      %dma_wait3A_355 = tpu.memref_slice %arg8[%select_n3A_348] : memref<3x!tpu.dma_semaphore, #tpu.memory_space<semaphore_mem>> -> memref<1x!tpu.dma_semaphore, #tpu.memory_space<semaphore_mem>>
      %dma_wait3A_356 = tpu.memref_squeeze %dma_wait3A_355 : memref<1x!tpu.dma_semaphore, #tpu.memory_space<semaphore_mem>> -> memref<!tpu.dma_semaphore, #tpu.memory_space<semaphore_mem>>
      %dma_wait3A_357 = arith.constant 0 : i32
      %dma_wait3A_358 = tpu.memref_slice %arg4[%mul3A_2, %dma_wait3A_357] : memref<4096x8192xf32, #tpu.memory_space<hbm>> -> memref<4x8192xf32, #tpu.memory_space<hbm>>
      %dma_wait3A_359 = arith.constant 0 : i32
      %dma_wait3A_360 = arith.constant 0 : i32
      %dma_wait3A_361 = tpu.memref_slice %arg6[%select_n3A_348, %dma_wait3A_359, %dma_wait3A_360] : memref<3x4x8192xf32, #tpu.memory_space<vmem>> -> memref<1x4x8192xf32, #tpu.memory_space<vmem>>
      %dma_wait3A_362 = tpu.memref_squeeze %dma_wait3A_361 : memref<1x4x8192xf32, #tpu.memory_space<vmem>> -> memref<4x8192xf32, #tpu.memory_space<vmem>>
      tpu.wait_dma2 semaphore(%dma_wait3A_356 : memref<!tpu.dma_semaphore, #tpu.memory_space<semaphore_mem>>) src(%dma_wait3A_362 : memref<4x8192xf32, #tpu.memory_space<vmem>>) dst(%dma_wait3A_358 : memref<4x8192xf32, #tpu.memory_space<hbm>>)
      %add3A_363 = arith.constant 2 : i32
      %add3A_364 = arith.addi %add3A_337, %add3A_363 : i32
      %mul3A_365 = arith.constant 8 : i32
      %mul3A_366 = arith.muli %add3A_364, %mul3A_365 : i32
      %dma_start3A_367 = arith.constant 2 : i32
      %dma_start3A_368 = arith.constant 2 : i32
      %dma_start3A_369 = arith.constant 0 : i32
      %dma_start3A_370 = arith.constant 0 : i32
      %dma_start3A_371 = tpu.memref_slice %arg6[%dma_start3A_367, %dma_start3A_369, %dma_start3A_370] : memref<3x4x8192xf32, #tpu.memory_space<vmem>> -> memref<1x4x8192xf32, #tpu.memory_space<vmem>>
      %dma_start3A_372 = tpu.memref_squeeze %dma_start3A_371 : memref<1x4x8192xf32, #tpu.memory_space<vmem>> -> memref<4x8192xf32, #tpu.memory_space<vmem>>
      %dma_start3A_373 = tpu.memref_slice %arg5[%mul3A_366] : memref<256xi32, #tpu.memory_space<vmem>> -> memref<4xi32, #tpu.memory_space<vmem>>
      %dma_start3A_374 = arith.constant 0 : i32
      %dma_start3A_375 = arith.constant 0 : i32
      %dma_start3A_376 = tpu.memref_slice %arg3[%dma_start3A_374, %dma_start3A_375] : memref<8192x8192xf32, #tpu.memory_space<hbm>> -> memref<8192x8192xf32, #tpu.memory_space<hbm>>
      %dma_start3A_377 = tpu.memref_slice %arg7[%dma_start3A_368] : memref<3x!tpu.dma_semaphore, #tpu.memory_space<semaphore_mem>> -> memref<1x!tpu.dma_semaphore, #tpu.memory_space<semaphore_mem>>
      %dma_start3A_378 = tpu.memref_squeeze %dma_start3A_377 : memref<1x!tpu.dma_semaphore, #tpu.memory_space<semaphore_mem>> -> memref<!tpu.dma_semaphore, #tpu.memory_space<semaphore_mem>>
      tpu.enqueue_indirect_dma source(%dma_start3A_376 : memref<8192x8192xf32, #tpu.memory_space<hbm>>) target(%dma_start3A_372 : memref<4x8192xf32, #tpu.memory_space<vmem>>) offsets(%dma_start3A_373 : memref<4xi32, #tpu.memory_space<vmem>>) semaphore(%dma_start3A_378 : memref<!tpu.dma_semaphore, #tpu.memory_space<semaphore_mem>>)
      %dma_wait3A_379 = arith.constant 0 : i32
      %dma_wait3A_380 = arith.constant 0 : i32
      %dma_wait3A_381 = arith.constant 0 : i32
      %dma_wait3A_382 = arith.constant 0 : i32
      %dma_wait3A_383 = tpu.memref_slice %arg6[%dma_wait3A_379, %dma_wait3A_381, %dma_wait3A_382] : memref<3x4x8192xf32, #tpu.memory_space<vmem>> -> memref<1x4x8192xf32, #tpu.memory_space<vmem>>
      %dma_wait3A_384 = tpu.memref_squeeze %dma_wait3A_383 : memref<1x4x8192xf32, #tpu.memory_space<vmem>> -> memref<4x8192xf32, #tpu.memory_space<vmem>>
      %dma_wait3A_385 = arith.constant 0 : i32
      %dma_wait3A_386 = arith.constant 0 : i32
      %dma_wait3A_387 = tpu.memref_slice %arg3[%dma_wait3A_385, %dma_wait3A_386] : memref<8192x8192xf32, #tpu.memory_space<hbm>> -> memref<4x8192xf32, #tpu.memory_space<hbm>>
      %dma_wait3A_388 = tpu.memref_slice %arg7[%dma_wait3A_380] : memref<3x!tpu.dma_semaphore, #tpu.memory_space<semaphore_mem>> -> memref<1x!tpu.dma_semaphore, #tpu.memory_space<semaphore_mem>>
      %dma_wait3A_389 = tpu.memref_squeeze %dma_wait3A_388 : memref<1x!tpu.dma_semaphore, #tpu.memory_space<semaphore_mem>> -> memref<!tpu.dma_semaphore, #tpu.memory_space<semaphore_mem>>
      %dma_wait3A_390 = arith.constant 0 : i32
      %dma_wait3A_391 = arith.constant 0 : i32
      %dma_wait3A_392 = tpu.memref_slice %arg6[%dma_wait3A_379, %dma_wait3A_390, %dma_wait3A_391] : memref<3x4x8192xf32, #tpu.memory_space<vmem>> -> memref<1x4x8192xf32, #tpu.memory_space<vmem>>
      %dma_wait3A_393 = tpu.memref_squeeze %dma_wait3A_392 : memref<1x4x8192xf32, #tpu.memory_space<vmem>> -> memref<4x8192xf32, #tpu.memory_space<vmem>>
      %dma_wait3A_394 = arith.constant 0 : i32
      %dma_wait3A_395 = arith.constant 0 : i32
      %dma_wait3A_396 = tpu.memref_slice %arg3[%dma_wait3A_394, %dma_wait3A_395] : memref<8192x8192xf32, #tpu.memory_space<hbm>> -> memref<4x8192xf32, #tpu.memory_space<hbm>>
      tpu.wait_dma2 semaphore(%dma_wait3A_389 : memref<!tpu.dma_semaphore, #tpu.memory_space<semaphore_mem>>) src(%dma_wait3A_396 : memref<4x8192xf32, #tpu.memory_space<hbm>>) dst(%dma_wait3A_393 : memref<4x8192xf32, #tpu.memory_space<vmem>>)
      %mul3A_397 = arith.constant 4 : i32
      %mul3A_398 = arith.muli %add3A_337, %mul3A_397 : i32
      %add3A_399 = arith.addi %mul3A_2, %mul3A_398 : i32
      %dma_start3A_400 = arith.constant 0 : i32
      %dma_start3A_401 = arith.constant 0 : i32
      %dma_start3A_402 = arith.constant 0 : i32
      %dma_start3A_403 = arith.constant 0 : i32
      %dma_start3A_404 = tpu.memref_slice %arg6[%dma_start3A_400, %dma_start3A_402, %dma_start3A_403] : memref<3x4x8192xf32, #tpu.memory_space<vmem>> -> memref<1x4x8192xf32, #tpu.memory_space<vmem>>
      %dma_start3A_405 = tpu.memref_squeeze %dma_start3A_404 : memref<1x4x8192xf32, #tpu.memory_space<vmem>> -> memref<4x8192xf32, #tpu.memory_space<vmem>>
      %dma_start3A_406 = arith.constant 0 : i32
      %dma_start3A_407 = tpu.memref_slice %arg4[%add3A_399, %dma_start3A_406] : memref<4096x8192xf32, #tpu.memory_space<hbm>> -> memref<4x8192xf32, #tpu.memory_space<hbm>>
      %dma_start3A_408 = tpu.memref_slice %arg8[%dma_start3A_401] : memref<3x!tpu.dma_semaphore, #tpu.memory_space<semaphore_mem>> -> memref<1x!tpu.dma_semaphore, #tpu.memory_space<semaphore_mem>>
      %dma_start3A_409 = tpu.memref_squeeze %dma_start3A_408 : memref<1x!tpu.dma_semaphore, #tpu.memory_space<semaphore_mem>> -> memref<!tpu.dma_semaphore, #tpu.memory_space<semaphore_mem>>
      %dma_start3A_410 = arith.constant 0 : i32
      %dma_start3A_411 = tpu.memref_slice %arg4[%add3A_399, %dma_start3A_410] : memref<4096x8192xf32, #tpu.memory_space<hbm>> -> memref<4x8192xf32, #tpu.memory_space<hbm>>
      %dma_start3A_412 = arith.constant 0 : i32
      %dma_start3A_413 = arith.constant 0 : i32
      %dma_start3A_414 = tpu.memref_slice %arg6[%dma_start3A_400, %dma_start3A_412, %dma_start3A_413] : memref<3x4x8192xf32, #tpu.memory_space<vmem>> -> memref<1x4x8192xf32, #tpu.memory_space<vmem>>
      %dma_start3A_415 = tpu.memref_squeeze %dma_start3A_414 : memref<1x4x8192xf32, #tpu.memory_space<vmem>> -> memref<4x8192xf32, #tpu.memory_space<vmem>>
      tpu.enqueue_dma source(%dma_start3A_415 : memref<4x8192xf32, #tpu.memory_space<vmem>>) target(%dma_start3A_411 : memref<4x8192xf32, #tpu.memory_space<hbm>>) target_semaphore(%dma_start3A_409 : memref<!tpu.dma_semaphore, #tpu.memory_space<semaphore_mem>>)
      %add3A_416 = arith.constant 1 : i32
      %add3A_417 = arith.addi %mul3A_335, %add3A_416 : i32
      %add3A_418 = arith.constant 2 : i32
      %add3A_419 = arith.addi %add3A_417, %add3A_418 : i32
      %jit3A_420 = arith.constant 3 : i32
      %eq3A_421 = arith.constant 0 : i32
      %eq3A_422 = arith.cmpi eq, %jit3A_420, %eq3A_421 : i32
      %jit3A_423 = arith.constant 1 : i32
      %select_n3A_424 = arith.select %eq3A_422, %jit3A_423, %jit3A_420 : i32
      %rem3A_425 = arith.remsi %add3A_419, %select_n3A_424 : i32
      %ne3A_426 = arith.constant 0 : i32
      %ne3A_427 = arith.cmpi ne, %rem3A_425, %ne3A_426 : i32
      %lt3A_428 = arith.constant 0 : i32
      %lt3A_429 = arith.cmpi slt, %rem3A_425, %lt3A_428 : i32
      %lt3A_430 = arith.constant 0 : i32
      %lt3A_431 = arith.cmpi slt, %select_n3A_424, %lt3A_430 : i32
      %ne3A_432 = arith.xori %lt3A_429, %lt3A_431 : i1
      %and3A_433 = arith.andi %ne3A_432, %ne3A_427 : i1
      %add3A_434 = arith.addi %rem3A_425, %select_n3A_424 : i32
      %select_n3A_435 = arith.select %and3A_433, %add3A_434, %rem3A_425 : i32
      %dma_wait3A_436 = arith.constant 0 : i32
      %dma_wait3A_437 = arith.constant 0 : i32
      %dma_wait3A_438 = tpu.memref_slice %arg6[%select_n3A_435, %dma_wait3A_436, %dma_wait3A_437] : memref<3x4x8192xf32, #tpu.memory_space<vmem>> -> memref<1x4x8192xf32, #tpu.memory_space<vmem>>
      %dma_wait3A_439 = tpu.memref_squeeze %dma_wait3A_438 : memref<1x4x8192xf32, #tpu.memory_space<vmem>> -> memref<4x8192xf32, #tpu.memory_space<vmem>>
      %dma_wait3A_440 = arith.constant 0 : i32
      %dma_wait3A_441 = tpu.memref_slice %arg4[%mul3A_2, %dma_wait3A_440] : memref<4096x8192xf32, #tpu.memory_space<hbm>> -> memref<4x8192xf32, #tpu.memory_space<hbm>>
      %dma_wait3A_442 = tpu.memref_slice %arg8[%select_n3A_435] : memref<3x!tpu.dma_semaphore, #tpu.memory_space<semaphore_mem>> -> memref<1x!tpu.dma_semaphore, #tpu.memory_space<semaphore_mem>>
      %dma_wait3A_443 = tpu.memref_squeeze %dma_wait3A_442 : memref<1x!tpu.dma_semaphore, #tpu.memory_space<semaphore_mem>> -> memref<!tpu.dma_semaphore, #tpu.memory_space<semaphore_mem>>
      %dma_wait3A_444 = arith.constant 0 : i32
      %dma_wait3A_445 = tpu.memref_slice %arg4[%mul3A_2, %dma_wait3A_444] : memref<4096x8192xf32, #tpu.memory_space<hbm>> -> memref<4x8192xf32, #tpu.memory_space<hbm>>
      %dma_wait3A_446 = arith.constant 0 : i32
      %dma_wait3A_447 = arith.constant 0 : i32
      %dma_wait3A_448 = tpu.memref_slice %arg6[%select_n3A_435, %dma_wait3A_446, %dma_wait3A_447] : memref<3x4x8192xf32, #tpu.memory_space<vmem>> -> memref<1x4x8192xf32, #tpu.memory_space<vmem>>
      %dma_wait3A_449 = tpu.memref_squeeze %dma_wait3A_448 : memref<1x4x8192xf32, #tpu.memory_space<vmem>> -> memref<4x8192xf32, #tpu.memory_space<vmem>>
      tpu.wait_dma2 semaphore(%dma_wait3A_443 : memref<!tpu.dma_semaphore, #tpu.memory_space<semaphore_mem>>) src(%dma_wait3A_449 : memref<4x8192xf32, #tpu.memory_space<vmem>>) dst(%dma_wait3A_445 : memref<4x8192xf32, #tpu.memory_space<hbm>>)
      %add3A_450 = arith.constant 2 : i32
      %add3A_451 = arith.addi %add3A_417, %add3A_450 : i32
      %mul3A_452 = arith.constant 8 : i32
      %mul3A_453 = arith.muli %add3A_451, %mul3A_452 : i32
      %dma_start3A_454 = arith.constant 0 : i32
      %dma_start3A_455 = arith.constant 0 : i32
      %dma_start3A_456 = arith.constant 0 : i32
      %dma_start3A_457 = arith.constant 0 : i32
      %dma_start3A_458 = tpu.memref_slice %arg6[%dma_start3A_454, %dma_start3A_456, %dma_start3A_457] : memref<3x4x8192xf32, #tpu.memory_space<vmem>> -> memref<1x4x8192xf32, #tpu.memory_space<vmem>>
      %dma_start3A_459 = tpu.memref_squeeze %dma_start3A_458 : memref<1x4x8192xf32, #tpu.memory_space<vmem>> -> memref<4x8192xf32, #tpu.memory_space<vmem>>
      %dma_start3A_460 = tpu.memref_slice %arg5[%mul3A_453] : memref<256xi32, #tpu.memory_space<vmem>> -> memref<4xi32, #tpu.memory_space<vmem>>
      %dma_start3A_461 = arith.constant 0 : i32
      %dma_start3A_462 = arith.constant 0 : i32
      %dma_start3A_463 = tpu.memref_slice %arg3[%dma_start3A_461, %dma_start3A_462] : memref<8192x8192xf32, #tpu.memory_space<hbm>> -> memref<8192x8192xf32, #tpu.memory_space<hbm>>
      %dma_start3A_464 = tpu.memref_slice %arg7[%dma_start3A_455] : memref<3x!tpu.dma_semaphore, #tpu.memory_space<semaphore_mem>> -> memref<1x!tpu.dma_semaphore, #tpu.memory_space<semaphore_mem>>
      %dma_start3A_465 = tpu.memref_squeeze %dma_start3A_464 : memref<1x!tpu.dma_semaphore, #tpu.memory_space<semaphore_mem>> -> memref<!tpu.dma_semaphore, #tpu.memory_space<semaphore_mem>>
      tpu.enqueue_indirect_dma source(%dma_start3A_463 : memref<8192x8192xf32, #tpu.memory_space<hbm>>) target(%dma_start3A_459 : memref<4x8192xf32, #tpu.memory_space<vmem>>) offsets(%dma_start3A_460 : memref<4xi32, #tpu.memory_space<vmem>>) semaphore(%dma_start3A_465 : memref<!tpu.dma_semaphore, #tpu.memory_space<semaphore_mem>>)
      %dma_wait3A_466 = arith.constant 1 : i32
      %dma_wait3A_467 = arith.constant 1 : i32
      %dma_wait3A_468 = arith.constant 0 : i32
      %dma_wait3A_469 = arith.constant 0 : i32
      %dma_wait3A_470 = tpu.memref_slice %arg6[%dma_wait3A_466, %dma_wait3A_468, %dma_wait3A_469] : memref<3x4x8192xf32, #tpu.memory_space<vmem>> -> memref<1x4x8192xf32, #tpu.memory_space<vmem>>
      %dma_wait3A_471 = tpu.memref_squeeze %dma_wait3A_470 : memref<1x4x8192xf32, #tpu.memory_space<vmem>> -> memref<4x8192xf32, #tpu.memory_space<vmem>>
      %dma_wait3A_472 = arith.constant 0 : i32
      %dma_wait3A_473 = arith.constant 0 : i32
      %dma_wait3A_474 = tpu.memref_slice %arg3[%dma_wait3A_472, %dma_wait3A_473] : memref<8192x8192xf32, #tpu.memory_space<hbm>> -> memref<4x8192xf32, #tpu.memory_space<hbm>>
      %dma_wait3A_475 = tpu.memref_slice %arg7[%dma_wait3A_467] : memref<3x!tpu.dma_semaphore, #tpu.memory_space<semaphore_mem>> -> memref<1x!tpu.dma_semaphore, #tpu.memory_space<semaphore_mem>>
      %dma_wait3A_476 = tpu.memref_squeeze %dma_wait3A_475 : memref<1x!tpu.dma_semaphore, #tpu.memory_space<semaphore_mem>> -> memref<!tpu.dma_semaphore, #tpu.memory_space<semaphore_mem>>
      %dma_wait3A_477 = arith.constant 0 : i32
      %dma_wait3A_478 = arith.constant 0 : i32
      %dma_wait3A_479 = tpu.memref_slice %arg6[%dma_wait3A_466, %dma_wait3A_477, %dma_wait3A_478] : memref<3x4x8192xf32, #tpu.memory_space<vmem>> -> memref<1x4x8192xf32, #tpu.memory_space<vmem>>
      %dma_wait3A_480 = tpu.memref_squeeze %dma_wait3A_479 : memref<1x4x8192xf32, #tpu.memory_space<vmem>> -> memref<4x8192xf32, #tpu.memory_space<vmem>>
      %dma_wait3A_481 = arith.constant 0 : i32
      %dma_wait3A_482 = arith.constant 0 : i32
      %dma_wait3A_483 = tpu.memref_slice %arg3[%dma_wait3A_481, %dma_wait3A_482] : memref<8192x8192xf32, #tpu.memory_space<hbm>> -> memref<4x8192xf32, #tpu.memory_space<hbm>>
      tpu.wait_dma2 semaphore(%dma_wait3A_476 : memref<!tpu.dma_semaphore, #tpu.memory_space<semaphore_mem>>) src(%dma_wait3A_483 : memref<4x8192xf32, #tpu.memory_space<hbm>>) dst(%dma_wait3A_480 : memref<4x8192xf32, #tpu.memory_space<vmem>>)
      %mul3A_484 = arith.constant 4 : i32
      %mul3A_485 = arith.muli %add3A_417, %mul3A_484 : i32
      %add3A_486 = arith.addi %mul3A_2, %mul3A_485 : i32
      %dma_start3A_487 = arith.constant 1 : i32
      %dma_start3A_488 = arith.constant 1 : i32
      %dma_start3A_489 = arith.constant 0 : i32
      %dma_start3A_490 = arith.constant 0 : i32
      %dma_start3A_491 = tpu.memref_slice %arg6[%dma_start3A_487, %dma_start3A_489, %dma_start3A_490] : memref<3x4x8192xf32, #tpu.memory_space<vmem>> -> memref<1x4x8192xf32, #tpu.memory_space<vmem>>
      %dma_start3A_492 = tpu.memref_squeeze %dma_start3A_491 : memref<1x4x8192xf32, #tpu.memory_space<vmem>> -> memref<4x8192xf32, #tpu.memory_space<vmem>>
      %dma_start3A_493 = arith.constant 0 : i32
      %dma_start3A_494 = tpu.memref_slice %arg4[%add3A_486, %dma_start3A_493] : memref<4096x8192xf32, #tpu.memory_space<hbm>> -> memref<4x8192xf32, #tpu.memory_space<hbm>>
      %dma_start3A_495 = tpu.memref_slice %arg8[%dma_start3A_488] : memref<3x!tpu.dma_semaphore, #tpu.memory_space<semaphore_mem>> -> memref<1x!tpu.dma_semaphore, #tpu.memory_space<semaphore_mem>>
      %dma_start3A_496 = tpu.memref_squeeze %dma_start3A_495 : memref<1x!tpu.dma_semaphore, #tpu.memory_space<semaphore_mem>> -> memref<!tpu.dma_semaphore, #tpu.memory_space<semaphore_mem>>
      %dma_start3A_497 = arith.constant 0 : i32
      %dma_start3A_498 = tpu.memref_slice %arg4[%add3A_486, %dma_start3A_497] : memref<4096x8192xf32, #tpu.memory_space<hbm>> -> memref<4x8192xf32, #tpu.memory_space<hbm>>
      %dma_start3A_499 = arith.constant 0 : i32
      %dma_start3A_500 = arith.constant 0 : i32
      %dma_start3A_501 = tpu.memref_slice %arg6[%dma_start3A_487, %dma_start3A_499, %dma_start3A_500] : memref<3x4x8192xf32, #tpu.memory_space<vmem>> -> memref<1x4x8192xf32, #tpu.memory_space<vmem>>
      %dma_start3A_502 = tpu.memref_squeeze %dma_start3A_501 : memref<1x4x8192xf32, #tpu.memory_space<vmem>> -> memref<4x8192xf32, #tpu.memory_space<vmem>>
      tpu.enqueue_dma source(%dma_start3A_502 : memref<4x8192xf32, #tpu.memory_space<vmem>>) target(%dma_start3A_498 : memref<4x8192xf32, #tpu.memory_space<hbm>>) target_semaphore(%dma_start3A_496 : memref<!tpu.dma_semaphore, #tpu.memory_space<semaphore_mem>>)
      %add3A_503 = arith.constant 2 : i32
      %add3A_504 = arith.addi %mul3A_335, %add3A_503 : i32
      %add3A_505 = arith.constant 2 : i32
      %add3A_506 = arith.addi %add3A_504, %add3A_505 : i32
      %jit3A_507 = arith.constant 3 : i32
      %eq3A_508 = arith.constant 0 : i32
      %eq3A_509 = arith.cmpi eq, %jit3A_507, %eq3A_508 : i32
      %jit3A_510 = arith.constant 1 : i32
      %select_n3A_511 = arith.select %eq3A_509, %jit3A_510, %jit3A_507 : i32
      %rem3A_512 = arith.remsi %add3A_506, %select_n3A_511 : i32
      %ne3A_513 = arith.constant 0 : i32
      %ne3A_514 = arith.cmpi ne, %rem3A_512, %ne3A_513 : i32
      %lt3A_515 = arith.constant 0 : i32
      %lt3A_516 = arith.cmpi slt, %rem3A_512, %lt3A_515 : i32
      %lt3A_517 = arith.constant 0 : i32
      %lt3A_518 = arith.cmpi slt, %select_n3A_511, %lt3A_517 : i32
      %ne3A_519 = arith.xori %lt3A_516, %lt3A_518 : i1
      %and3A_520 = arith.andi %ne3A_519, %ne3A_514 : i1
      %add3A_521 = arith.addi %rem3A_512, %select_n3A_511 : i32
      %select_n3A_522 = arith.select %and3A_520, %add3A_521, %rem3A_512 : i32
      %dma_wait3A_523 = arith.constant 0 : i32
      %dma_wait3A_524 = arith.constant 0 : i32
      %dma_wait3A_525 = tpu.memref_slice %arg6[%select_n3A_522, %dma_wait3A_523, %dma_wait3A_524] : memref<3x4x8192xf32, #tpu.memory_space<vmem>> -> memref<1x4x8192xf32, #tpu.memory_space<vmem>>
      %dma_wait3A_526 = tpu.memref_squeeze %dma_wait3A_525 : memref<1x4x8192xf32, #tpu.memory_space<vmem>> -> memref<4x8192xf32, #tpu.memory_space<vmem>>
      %dma_wait3A_527 = arith.constant 0 : i32
      %dma_wait3A_528 = tpu.memref_slice %arg4[%mul3A_2, %dma_wait3A_527] : memref<4096x8192xf32, #tpu.memory_space<hbm>> -> memref<4x8192xf32, #tpu.memory_space<hbm>>
      %dma_wait3A_529 = tpu.memref_slice %arg8[%select_n3A_522] : memref<3x!tpu.dma_semaphore, #tpu.memory_space<semaphore_mem>> -> memref<1x!tpu.dma_semaphore, #tpu.memory_space<semaphore_mem>>
      %dma_wait3A_530 = tpu.memref_squeeze %dma_wait3A_529 : memref<1x!tpu.dma_semaphore, #tpu.memory_space<semaphore_mem>> -> memref<!tpu.dma_semaphore, #tpu.memory_space<semaphore_mem>>
      %dma_wait3A_531 = arith.constant 0 : i32
      %dma_wait3A_532 = tpu.memref_slice %arg4[%mul3A_2, %dma_wait3A_531] : memref<4096x8192xf32, #tpu.memory_space<hbm>> -> memref<4x8192xf32, #tpu.memory_space<hbm>>
      %dma_wait3A_533 = arith.constant 0 : i32
      %dma_wait3A_534 = arith.constant 0 : i32
      %dma_wait3A_535 = tpu.memref_slice %arg6[%select_n3A_522, %dma_wait3A_533, %dma_wait3A_534] : memref<3x4x8192xf32, #tpu.memory_space<vmem>> -> memref<1x4x8192xf32, #tpu.memory_space<vmem>>
      %dma_wait3A_536 = tpu.memref_squeeze %dma_wait3A_535 : memref<1x4x8192xf32, #tpu.memory_space<vmem>> -> memref<4x8192xf32, #tpu.memory_space<vmem>>
      tpu.wait_dma2 semaphore(%dma_wait3A_530 : memref<!tpu.dma_semaphore, #tpu.memory_space<semaphore_mem>>) src(%dma_wait3A_536 : memref<4x8192xf32, #tpu.memory_space<vmem>>) dst(%dma_wait3A_532 : memref<4x8192xf32, #tpu.memory_space<hbm>>)
      %add3A_537 = arith.constant 2 : i32
      %add3A_538 = arith.addi %add3A_504, %add3A_537 : i32
      %mul3A_539 = arith.constant 8 : i32
      %mul3A_540 = arith.muli %add3A_538, %mul3A_539 : i32
      %dma_start3A_541 = arith.constant 1 : i32
      %dma_start3A_542 = arith.constant 1 : i32
      %dma_start3A_543 = arith.constant 0 : i32
      %dma_start3A_544 = arith.constant 0 : i32
      %dma_start3A_545 = tpu.memref_slice %arg6[%dma_start3A_541, %dma_start3A_543, %dma_start3A_544] : memref<3x4x8192xf32, #tpu.memory_space<vmem>> -> memref<1x4x8192xf32, #tpu.memory_space<vmem>>
      %dma_start3A_546 = tpu.memref_squeeze %dma_start3A_545 : memref<1x4x8192xf32, #tpu.memory_space<vmem>> -> memref<4x8192xf32, #tpu.memory_space<vmem>>
      %dma_start3A_547 = tpu.memref_slice %arg5[%mul3A_540] : memref<256xi32, #tpu.memory_space<vmem>> -> memref<4xi32, #tpu.memory_space<vmem>>
      %dma_start3A_548 = arith.constant 0 : i32
      %dma_start3A_549 = arith.constant 0 : i32
      %dma_start3A_550 = tpu.memref_slice %arg3[%dma_start3A_548, %dma_start3A_549] : memref<8192x8192xf32, #tpu.memory_space<hbm>> -> memref<8192x8192xf32, #tpu.memory_space<hbm>>
      %dma_start3A_551 = tpu.memref_slice %arg7[%dma_start3A_542] : memref<3x!tpu.dma_semaphore, #tpu.memory_space<semaphore_mem>> -> memref<1x!tpu.dma_semaphore, #tpu.memory_space<semaphore_mem>>
      %dma_start3A_552 = tpu.memref_squeeze %dma_start3A_551 : memref<1x!tpu.dma_semaphore, #tpu.memory_space<semaphore_mem>> -> memref<!tpu.dma_semaphore, #tpu.memory_space<semaphore_mem>>
      tpu.enqueue_indirect_dma source(%dma_start3A_550 : memref<8192x8192xf32, #tpu.memory_space<hbm>>) target(%dma_start3A_546 : memref<4x8192xf32, #tpu.memory_space<vmem>>) offsets(%dma_start3A_547 : memref<4xi32, #tpu.memory_space<vmem>>) semaphore(%dma_start3A_552 : memref<!tpu.dma_semaphore, #tpu.memory_space<semaphore_mem>>)
      %dma_wait3A_553 = arith.constant 2 : i32
      %dma_wait3A_554 = arith.constant 2 : i32
      %dma_wait3A_555 = arith.constant 0 : i32
      %dma_wait3A_556 = arith.constant 0 : i32
      %dma_wait3A_557 = tpu.memref_slice %arg6[%dma_wait3A_553, %dma_wait3A_555, %dma_wait3A_556] : memref<3x4x8192xf32, #tpu.memory_space<vmem>> -> memref<1x4x8192xf32, #tpu.memory_space<vmem>>
      %dma_wait3A_558 = tpu.memref_squeeze %dma_wait3A_557 : memref<1x4x8192xf32, #tpu.memory_space<vmem>> -> memref<4x8192xf32, #tpu.memory_space<vmem>>
      %dma_wait3A_559 = arith.constant 0 : i32
      %dma_wait3A_560 = arith.constant 0 : i32
      %dma_wait3A_561 = tpu.memref_slice %arg3[%dma_wait3A_559, %dma_wait3A_560] : memref<8192x8192xf32, #tpu.memory_space<hbm>> -> memref<4x8192xf32, #tpu.memory_space<hbm>>
      %dma_wait3A_562 = tpu.memref_slice %arg7[%dma_wait3A_554] : memref<3x!tpu.dma_semaphore, #tpu.memory_space<semaphore_mem>> -> memref<1x!tpu.dma_semaphore, #tpu.memory_space<semaphore_mem>>
      %dma_wait3A_563 = tpu.memref_squeeze %dma_wait3A_562 : memref<1x!tpu.dma_semaphore, #tpu.memory_space<semaphore_mem>> -> memref<!tpu.dma_semaphore, #tpu.memory_space<semaphore_mem>>
      %dma_wait3A_564 = arith.constant 0 : i32
      %dma_wait3A_565 = arith.constant 0 : i32
      %dma_wait3A_566 = tpu.memref_slice %arg6[%dma_wait3A_553, %dma_wait3A_564, %dma_wait3A_565] : memref<3x4x8192xf32, #tpu.memory_space<vmem>> -> memref<1x4x8192xf32, #tpu.memory_space<vmem>>
      %dma_wait3A_567 = tpu.memref_squeeze %dma_wait3A_566 : memref<1x4x8192xf32, #tpu.memory_space<vmem>> -> memref<4x8192xf32, #tpu.memory_space<vmem>>
      %dma_wait3A_568 = arith.constant 0 : i32
      %dma_wait3A_569 = arith.constant 0 : i32
      %dma_wait3A_570 = tpu.memref_slice %arg3[%dma_wait3A_568, %dma_wait3A_569] : memref<8192x8192xf32, #tpu.memory_space<hbm>> -> memref<4x8192xf32, #tpu.memory_space<hbm>>
      tpu.wait_dma2 semaphore(%dma_wait3A_563 : memref<!tpu.dma_semaphore, #tpu.memory_space<semaphore_mem>>) src(%dma_wait3A_570 : memref<4x8192xf32, #tpu.memory_space<hbm>>) dst(%dma_wait3A_567 : memref<4x8192xf32, #tpu.memory_space<vmem>>)
      %mul3A_571 = arith.constant 4 : i32
      %mul3A_572 = arith.muli %add3A_504, %mul3A_571 : i32
      %add3A_573 = arith.addi %mul3A_2, %mul3A_572 : i32
      %dma_start3A_574 = arith.constant 2 : i32
      %dma_start3A_575 = arith.constant 2 : i32
      %dma_start3A_576 = arith.constant 0 : i32
      %dma_start3A_577 = arith.constant 0 : i32
      %dma_start3A_578 = tpu.memref_slice %arg6[%dma_start3A_574, %dma_start3A_576, %dma_start3A_577] : memref<3x4x8192xf32, #tpu.memory_space<vmem>> -> memref<1x4x8192xf32, #tpu.memory_space<vmem>>
      %dma_start3A_579 = tpu.memref_squeeze %dma_start3A_578 : memref<1x4x8192xf32, #tpu.memory_space<vmem>> -> memref<4x8192xf32, #tpu.memory_space<vmem>>
      %dma_start3A_580 = arith.constant 0 : i32
      %dma_start3A_581 = tpu.memref_slice %arg4[%add3A_573, %dma_start3A_580] : memref<4096x8192xf32, #tpu.memory_space<hbm>> -> memref<4x8192xf32, #tpu.memory_space<hbm>>
      %dma_start3A_582 = tpu.memref_slice %arg8[%dma_start3A_575] : memref<3x!tpu.dma_semaphore, #tpu.memory_space<semaphore_mem>> -> memref<1x!tpu.dma_semaphore, #tpu.memory_space<semaphore_mem>>
      %dma_start3A_583 = tpu.memref_squeeze %dma_start3A_582 : memref<1x!tpu.dma_semaphore, #tpu.memory_space<semaphore_mem>> -> memref<!tpu.dma_semaphore, #tpu.memory_space<semaphore_mem>>
      %dma_start3A_584 = arith.constant 0 : i32
      %dma_start3A_585 = tpu.memref_slice %arg4[%add3A_573, %dma_start3A_584] : memref<4096x8192xf32, #tpu.memory_space<hbm>> -> memref<4x8192xf32, #tpu.memory_space<hbm>>
      %dma_start3A_586 = arith.constant 0 : i32
      %dma_start3A_587 = arith.constant 0 : i32
      %dma_start3A_588 = tpu.memref_slice %arg6[%dma_start3A_574, %dma_start3A_586, %dma_start3A_587] : memref<3x4x8192xf32, #tpu.memory_space<vmem>> -> memref<1x4x8192xf32, #tpu.memory_space<vmem>>
      %dma_start3A_589 = tpu.memref_squeeze %dma_start3A_588 : memref<1x4x8192xf32, #tpu.memory_space<vmem>> -> memref<4x8192xf32, #tpu.memory_space<vmem>>
      tpu.enqueue_dma source(%dma_start3A_589 : memref<4x8192xf32, #tpu.memory_space<vmem>>) target(%dma_start3A_585 : memref<4x8192xf32, #tpu.memory_space<hbm>>) target_semaphore(%dma_start3A_583 : memref<!tpu.dma_semaphore, #tpu.memory_space<semaphore_mem>>)
    }
    %scan3A_212 = arith.constant 9 : i32
    %dma_wait3A_213 = arith.constant 0 : i32
    %dma_wait3A_214 = arith.constant 0 : i32
    %dma_wait3A_215 = arith.constant 0 : i32
    %dma_wait3A_216 = arith.constant 0 : i32
    %dma_wait3A_217 = tpu.memref_slice %arg6[%dma_wait3A_213, %dma_wait3A_215, %dma_wait3A_216] : memref<3x4x8192xf32, #tpu.memory_space<vmem>> -> memref<1x4x8192xf32, #tpu.memory_space<vmem>>
    %dma_wait3A_218 = tpu.memref_squeeze %dma_wait3A_217 : memref<1x4x8192xf32, #tpu.memory_space<vmem>> -> memref<4x8192xf32, #tpu.memory_space<vmem>>
    %dma_wait3A_219 = arith.constant 0 : i32
    %dma_wait3A_220 = arith.constant 0 : i32
    %dma_wait3A_221 = tpu.memref_slice %arg3[%dma_wait3A_219, %dma_wait3A_220] : memref<8192x8192xf32, #tpu.memory_space<hbm>> -> memref<4x8192xf32, #tpu.memory_space<hbm>>
    %dma_wait3A_222 = tpu.memref_slice %arg7[%dma_wait3A_214] : memref<3x!tpu.dma_semaphore, #tpu.memory_space<semaphore_mem>> -> memref<1x!tpu.dma_semaphore, #tpu.memory_space<semaphore_mem>>
    %dma_wait3A_223 = tpu.memref_squeeze %dma_wait3A_222 : memref<1x!tpu.dma_semaphore, #tpu.memory_space<semaphore_mem>> -> memref<!tpu.dma_semaphore, #tpu.memory_space<semaphore_mem>>
    %dma_wait3A_224 = arith.constant 0 : i32
    %dma_wait3A_225 = arith.constant 0 : i32
    %dma_wait3A_226 = tpu.memref_slice %arg6[%dma_wait3A_213, %dma_wait3A_224, %dma_wait3A_225] : memref<3x4x8192xf32, #tpu.memory_space<vmem>> -> memref<1x4x8192xf32, #tpu.memory_space<vmem>>
    %dma_wait3A_227 = tpu.memref_squeeze %dma_wait3A_226 : memref<1x4x8192xf32, #tpu.memory_space<vmem>> -> memref<4x8192xf32, #tpu.memory_space<vmem>>
    %dma_wait3A_228 = arith.constant 0 : i32
    %dma_wait3A_229 = arith.constant 0 : i32
    %dma_wait3A_230 = tpu.memref_slice %arg3[%dma_wait3A_228, %dma_wait3A_229] : memref<8192x8192xf32, #tpu.memory_space<hbm>> -> memref<4x8192xf32, #tpu.memory_space<hbm>>
    tpu.wait_dma2 semaphore(%dma_wait3A_223 : memref<!tpu.dma_semaphore, #tpu.memory_space<semaphore_mem>>) src(%dma_wait3A_230 : memref<4x8192xf32, #tpu.memory_space<hbm>>) dst(%dma_wait3A_227 : memref<4x8192xf32, #tpu.memory_space<vmem>>)
    %add3A_231 = arith.constant 120 : i32
    %add3A_232 = arith.addi %mul3A_2, %add3A_231 : i32
    %dma_start3A_233 = arith.constant 0 : i32
    %dma_start3A_234 = arith.constant 0 : i32
    %dma_start3A_235 = arith.constant 0 : i32
    %dma_start3A_236 = arith.constant 0 : i32
    %dma_start3A_237 = tpu.memref_slice %arg6[%dma_start3A_233, %dma_start3A_235, %dma_start3A_236] : memref<3x4x8192xf32, #tpu.memory_space<vmem>> -> memref<1x4x8192xf32, #tpu.memory_space<vmem>>
    %dma_start3A_238 = tpu.memref_squeeze %dma_start3A_237 : memref<1x4x8192xf32, #tpu.memory_space<vmem>> -> memref<4x8192xf32, #tpu.memory_space<vmem>>
    %dma_start3A_239 = arith.constant 0 : i32
    %dma_start3A_240 = tpu.memref_slice %arg4[%add3A_232, %dma_start3A_239] : memref<4096x8192xf32, #tpu.memory_space<hbm>> -> memref<4x8192xf32, #tpu.memory_space<hbm>>
    %dma_start3A_241 = tpu.memref_slice %arg8[%dma_start3A_234] : memref<3x!tpu.dma_semaphore, #tpu.memory_space<semaphore_mem>> -> memref<1x!tpu.dma_semaphore, #tpu.memory_space<semaphore_mem>>
    %dma_start3A_242 = tpu.memref_squeeze %dma_start3A_241 : memref<1x!tpu.dma_semaphore, #tpu.memory_space<semaphore_mem>> -> memref<!tpu.dma_semaphore, #tpu.memory_space<semaphore_mem>>
    %dma_start3A_243 = arith.constant 0 : i32
    %dma_start3A_244 = tpu.memref_slice %arg4[%add3A_232, %dma_start3A_243] : memref<4096x8192xf32, #tpu.memory_space<hbm>> -> memref<4x8192xf32, #tpu.memory_space<hbm>>
    %dma_start3A_245 = arith.constant 0 : i32
    %dma_start3A_246 = arith.constant 0 : i32
    %dma_start3A_247 = tpu.memref_slice %arg6[%dma_start3A_233, %dma_start3A_245, %dma_start3A_246] : memref<3x4x8192xf32, #tpu.memory_space<vmem>> -> memref<1x4x8192xf32, #tpu.memory_space<vmem>>
    %dma_start3A_248 = tpu.memref_squeeze %dma_start3A_247 : memref<1x4x8192xf32, #tpu.memory_space<vmem>> -> memref<4x8192xf32, #tpu.memory_space<vmem>>
    tpu.enqueue_dma source(%dma_start3A_248 : memref<4x8192xf32, #tpu.memory_space<vmem>>) target(%dma_start3A_244 : memref<4x8192xf32, #tpu.memory_space<hbm>>) target_semaphore(%dma_start3A_242 : memref<!tpu.dma_semaphore, #tpu.memory_space<semaphore_mem>>)
    %dma_wait3A_249 = arith.constant 1 : i32
    %dma_wait3A_250 = arith.constant 1 : i32
    %dma_wait3A_251 = arith.constant 0 : i32
    %dma_wait3A_252 = arith.constant 0 : i32
    %dma_wait3A_253 = tpu.memref_slice %arg6[%dma_wait3A_249, %dma_wait3A_251, %dma_wait3A_252] : memref<3x4x8192xf32, #tpu.memory_space<vmem>> -> memref<1x4x8192xf32, #tpu.memory_space<vmem>>
    %dma_wait3A_254 = tpu.memref_squeeze %dma_wait3A_253 : memref<1x4x8192xf32, #tpu.memory_space<vmem>> -> memref<4x8192xf32, #tpu.memory_space<vmem>>
    %dma_wait3A_255 = arith.constant 0 : i32
    %dma_wait3A_256 = arith.constant 0 : i32
    %dma_wait3A_257 = tpu.memref_slice %arg3[%dma_wait3A_255, %dma_wait3A_256] : memref<8192x8192xf32, #tpu.memory_space<hbm>> -> memref<4x8192xf32, #tpu.memory_space<hbm>>
    %dma_wait3A_258 = tpu.memref_slice %arg7[%dma_wait3A_250] : memref<3x!tpu.dma_semaphore, #tpu.memory_space<semaphore_mem>> -> memref<1x!tpu.dma_semaphore, #tpu.memory_space<semaphore_mem>>
    %dma_wait3A_259 = tpu.memref_squeeze %dma_wait3A_258 : memref<1x!tpu.dma_semaphore, #tpu.memory_space<semaphore_mem>> -> memref<!tpu.dma_semaphore, #tpu.memory_space<semaphore_mem>>
    %dma_wait3A_260 = arith.constant 0 : i32
    %dma_wait3A_261 = arith.constant 0 : i32
    %dma_wait3A_262 = tpu.memref_slice %arg6[%dma_wait3A_249, %dma_wait3A_260, %dma_wait3A_261] : memref<3x4x8192xf32, #tpu.memory_space<vmem>> -> memref<1x4x8192xf32, #tpu.memory_space<vmem>>
    %dma_wait3A_263 = tpu.memref_squeeze %dma_wait3A_262 : memref<1x4x8192xf32, #tpu.memory_space<vmem>> -> memref<4x8192xf32, #tpu.memory_space<vmem>>
    %dma_wait3A_264 = arith.constant 0 : i32
    %dma_wait3A_265 = arith.constant 0 : i32
    %dma_wait3A_266 = tpu.memref_slice %arg3[%dma_wait3A_264, %dma_wait3A_265] : memref<8192x8192xf32, #tpu.memory_space<hbm>> -> memref<4x8192xf32, #tpu.memory_space<hbm>>
    tpu.wait_dma2 semaphore(%dma_wait3A_259 : memref<!tpu.dma_semaphore, #tpu.memory_space<semaphore_mem>>) src(%dma_wait3A_266 : memref<4x8192xf32, #tpu.memory_space<hbm>>) dst(%dma_wait3A_263 : memref<4x8192xf32, #tpu.memory_space<vmem>>)
    %add3A_267 = arith.constant 124 : i32
    %add3A_268 = arith.addi %mul3A_2, %add3A_267 : i32
    %dma_start3A_269 = arith.constant 1 : i32
    %dma_start3A_270 = arith.constant 1 : i32
    %dma_start3A_271 = arith.constant 0 : i32
    %dma_start3A_272 = arith.constant 0 : i32
    %dma_start3A_273 = tpu.memref_slice %arg6[%dma_start3A_269, %dma_start3A_271, %dma_start3A_272] : memref<3x4x8192xf32, #tpu.memory_space<vmem>> -> memref<1x4x8192xf32, #tpu.memory_space<vmem>>
    %dma_start3A_274 = tpu.memref_squeeze %dma_start3A_273 : memref<1x4x8192xf32, #tpu.memory_space<vmem>> -> memref<4x8192xf32, #tpu.memory_space<vmem>>
    %dma_start3A_275 = arith.constant 0 : i32
    %dma_start3A_276 = tpu.memref_slice %arg4[%add3A_268, %dma_start3A_275] : memref<4096x8192xf32, #tpu.memory_space<hbm>> -> memref<4x8192xf32, #tpu.memory_space<hbm>>
    %dma_start3A_277 = tpu.memref_slice %arg8[%dma_start3A_270] : memref<3x!tpu.dma_semaphore, #tpu.memory_space<semaphore_mem>> -> memref<1x!tpu.dma_semaphore, #tpu.memory_space<semaphore_mem>>
    %dma_start3A_278 = tpu.memref_squeeze %dma_start3A_277 : memref<1x!tpu.dma_semaphore, #tpu.memory_space<semaphore_mem>> -> memref<!tpu.dma_semaphore, #tpu.memory_space<semaphore_mem>>
    %dma_start3A_279 = arith.constant 0 : i32
    %dma_start3A_280 = tpu.memref_slice %arg4[%add3A_268, %dma_start3A_279] : memref<4096x8192xf32, #tpu.memory_space<hbm>> -> memref<4x8192xf32, #tpu.memory_space<hbm>>
    %dma_start3A_281 = arith.constant 0 : i32
    %dma_start3A_282 = arith.constant 0 : i32
    %dma_start3A_283 = tpu.memref_slice %arg6[%dma_start3A_269, %dma_start3A_281, %dma_start3A_282] : memref<3x4x8192xf32, #tpu.memory_space<vmem>> -> memref<1x4x8192xf32, #tpu.memory_space<vmem>>
    %dma_start3A_284 = tpu.memref_squeeze %dma_start3A_283 : memref<1x4x8192xf32, #tpu.memory_space<vmem>> -> memref<4x8192xf32, #tpu.memory_space<vmem>>
    tpu.enqueue_dma source(%dma_start3A_284 : memref<4x8192xf32, #tpu.memory_space<vmem>>) target(%dma_start3A_280 : memref<4x8192xf32, #tpu.memory_space<hbm>>) target_semaphore(%dma_start3A_278 : memref<!tpu.dma_semaphore, #tpu.memory_space<semaphore_mem>>)
    %dma_wait3A_285 = arith.constant 2 : i32
    %dma_wait3A_286 = arith.constant 2 : i32
    %dma_wait3A_287 = arith.constant 0 : i32
    %dma_wait3A_288 = arith.constant 0 : i32
    %dma_wait3A_289 = tpu.memref_slice %arg6[%dma_wait3A_285, %dma_wait3A_287, %dma_wait3A_288] : memref<3x4x8192xf32, #tpu.memory_space<vmem>> -> memref<1x4x8192xf32, #tpu.memory_space<vmem>>
    %dma_wait3A_290 = tpu.memref_squeeze %dma_wait3A_289 : memref<1x4x8192xf32, #tpu.memory_space<vmem>> -> memref<4x8192xf32, #tpu.memory_space<vmem>>
    %dma_wait3A_291 = arith.constant 0 : i32
    %dma_wait3A_292 = tpu.memref_slice %arg4[%mul3A_2, %dma_wait3A_291] : memref<4096x8192xf32, #tpu.memory_space<hbm>> -> memref<4x8192xf32, #tpu.memory_space<hbm>>
    %dma_wait3A_293 = tpu.memref_slice %arg8[%dma_wait3A_286] : memref<3x!tpu.dma_semaphore, #tpu.memory_space<semaphore_mem>> -> memref<1x!tpu.dma_semaphore, #tpu.memory_space<semaphore_mem>>
    %dma_wait3A_294 = tpu.memref_squeeze %dma_wait3A_293 : memref<1x!tpu.dma_semaphore, #tpu.memory_space<semaphore_mem>> -> memref<!tpu.dma_semaphore, #tpu.memory_space<semaphore_mem>>
    %dma_wait3A_295 = arith.constant 0 : i32
    %dma_wait3A_296 = tpu.memref_slice %arg4[%mul3A_2, %dma_wait3A_295] : memref<4096x8192xf32, #tpu.memory_space<hbm>> -> memref<4x8192xf32, #tpu.memory_space<hbm>>
    %dma_wait3A_297 = arith.constant 0 : i32
    %dma_wait3A_298 = arith.constant 0 : i32
    %dma_wait3A_299 = tpu.memref_slice %arg6[%dma_wait3A_285, %dma_wait3A_297, %dma_wait3A_298] : memref<3x4x8192xf32, #tpu.memory_space<vmem>> -> memref<1x4x8192xf32, #tpu.memory_space<vmem>>
    %dma_wait3A_300 = tpu.memref_squeeze %dma_wait3A_299 : memref<1x4x8192xf32, #tpu.memory_space<vmem>> -> memref<4x8192xf32, #tpu.memory_space<vmem>>
    tpu.wait_dma2 semaphore(%dma_wait3A_294 : memref<!tpu.dma_semaphore, #tpu.memory_space<semaphore_mem>>) src(%dma_wait3A_300 : memref<4x8192xf32, #tpu.memory_space<vmem>>) dst(%dma_wait3A_296 : memref<4x8192xf32, #tpu.memory_space<hbm>>)
    %dma_wait3A_301 = arith.constant 0 : i32
    %dma_wait3A_302 = arith.constant 0 : i32
    %dma_wait3A_303 = arith.constant 0 : i32
    %dma_wait3A_304 = arith.constant 0 : i32
    %dma_wait3A_305 = tpu.memref_slice %arg6[%dma_wait3A_301, %dma_wait3A_303, %dma_wait3A_304] : memref<3x4x8192xf32, #tpu.memory_space<vmem>> -> memref<1x4x8192xf32, #tpu.memory_space<vmem>>
    %dma_wait3A_306 = tpu.memref_squeeze %dma_wait3A_305 : memref<1x4x8192xf32, #tpu.memory_space<vmem>> -> memref<4x8192xf32, #tpu.memory_space<vmem>>
    %dma_wait3A_307 = arith.constant 0 : i32
    %dma_wait3A_308 = tpu.memref_slice %arg4[%mul3A_2, %dma_wait3A_307] : memref<4096x8192xf32, #tpu.memory_space<hbm>> -> memref<4x8192xf32, #tpu.memory_space<hbm>>
    %dma_wait3A_309 = tpu.memref_slice %arg8[%dma_wait3A_302] : memref<3x!tpu.dma_semaphore, #tpu.memory_space<semaphore_mem>> -> memref<1x!tpu.dma_semaphore, #tpu.memory_space<semaphore_mem>>
    %dma_wait3A_310 = tpu.memref_squeeze %dma_wait3A_309 : memref<1x!tpu.dma_semaphore, #tpu.memory_space<semaphore_mem>> -> memref<!tpu.dma_semaphore, #tpu.memory_space<semaphore_mem>>
    %dma_wait3A_311 = arith.constant 0 : i32
    %dma_wait3A_312 = tpu.memref_slice %arg4[%mul3A_2, %dma_wait3A_311] : memref<4096x8192xf32, #tpu.memory_space<hbm>> -> memref<4x8192xf32, #tpu.memory_space<hbm>>
    %dma_wait3A_313 = arith.constant 0 : i32
    %dma_wait3A_314 = arith.constant 0 : i32
    %dma_wait3A_315 = tpu.memref_slice %arg6[%dma_wait3A_301, %dma_wait3A_313, %dma_wait3A_314] : memref<3x4x8192xf32, #tpu.memory_space<vmem>> -> memref<1x4x8192xf32, #tpu.memory_space<vmem>>
    %dma_wait3A_316 = tpu.memref_squeeze %dma_wait3A_315 : memref<1x4x8192xf32, #tpu.memory_space<vmem>> -> memref<4x8192xf32, #tpu.memory_space<vmem>>
    tpu.wait_dma2 semaphore(%dma_wait3A_310 : memref<!tpu.dma_semaphore, #tpu.memory_space<semaphore_mem>>) src(%dma_wait3A_316 : memref<4x8192xf32, #tpu.memory_space<vmem>>) dst(%dma_wait3A_312 : memref<4x8192xf32, #tpu.memory_space<hbm>>)
    %dma_wait3A_317 = arith.constant 1 : i32
    %dma_wait3A_318 = arith.constant 1 : i32
    %dma_wait3A_319 = arith.constant 0 : i32
    %dma_wait3A_320 = arith.constant 0 : i32
    %dma_wait3A_321 = tpu.memref_slice %arg6[%dma_wait3A_317, %dma_wait3A_319, %dma_wait3A_320] : memref<3x4x8192xf32, #tpu.memory_space<vmem>> -> memref<1x4x8192xf32, #tpu.memory_space<vmem>>
    %dma_wait3A_322 = tpu.memref_squeeze %dma_wait3A_321 : memref<1x4x8192xf32, #tpu.memory_space<vmem>> -> memref<4x8192xf32, #tpu.memory_space<vmem>>
    %dma_wait3A_323 = arith.constant 0 : i32
    %dma_wait3A_324 = tpu.memref_slice %arg4[%mul3A_2, %dma_wait3A_323] : memref<4096x8192xf32, #tpu.memory_space<hbm>> -> memref<4x8192xf32, #tpu.memory_space<hbm>>
    %dma_wait3A_325 = tpu.memref_slice %arg8[%dma_wait3A_318] : memref<3x!tpu.dma_semaphore, #tpu.memory_space<semaphore_mem>> -> memref<1x!tpu.dma_semaphore, #tpu.memory_space<semaphore_mem>>
    %dma_wait3A_326 = tpu.memref_squeeze %dma_wait3A_325 : memref<1x!tpu.dma_semaphore, #tpu.memory_space<semaphore_mem>> -> memref<!tpu.dma_semaphore, #tpu.memory_space<semaphore_mem>>
    %dma_wait3A_327 = arith.constant 0 : i32
    %dma_wait3A_328 = tpu.memref_slice %arg4[%mul3A_2, %dma_wait3A_327] : memref<4096x8192xf32, #tpu.memory_space<hbm>> -> memref<4x8192xf32, #tpu.memory_space<hbm>>
    %dma_wait3A_329 = arith.constant 0 : i32
    %dma_wait3A_330 = arith.constant 0 : i32
    %dma_wait3A_331 = tpu.memref_slice %arg6[%dma_wait3A_317, %dma_wait3A_329, %dma_wait3A_330] : memref<3x4x8192xf32, #tpu.memory_space<vmem>> -> memref<1x4x8192xf32, #tpu.memory_space<vmem>>
    %dma_wait3A_332 = tpu.memref_squeeze %dma_wait3A_331 : memref<1x4x8192xf32, #tpu.memory_space<vmem>> -> memref<4x8192xf32, #tpu.memory_space<vmem>>
    tpu.wait_dma2 semaphore(%dma_wait3A_326 : memref<!tpu.dma_semaphore, #tpu.memory_space<semaphore_mem>>) src(%dma_wait3A_332 : memref<4x8192xf32, #tpu.memory_space<vmem>>) dst(%dma_wait3A_328 : memref<4x8192xf32, #tpu.memory_space<hbm>>)
    return
  }
}

</mosaic_0001>

<sc_bundles>
// kernel: kernel.3.cloned.1.call-start
scs
__scs_entry_jumppad:
0x0: {  	(pc) =	sbr.rel $0x88, $3  }
0x1: {  	(tag) =	ssettag $0x0;
	lr =	simm.s32 $0x1  }
0x2: {  	[smem:$0x3F9F] =	sst lr;
	_ =	strace $0xD0000000  }
0x3: {  	_ = 	snop  }
0x4: {  	_ = 	snop  }
0x5: {  	_ = 	snop  }
0x6: {  	_ = 	snop  }
0x7: {  	_ = 	snop  }
__scs_overlays_trampoline_lowered:
0x8: {  	[smem:$0x3FAE] =	sst s0  }
0x9: {  	[smem:$0x3FAF] =	sst s1  }
0xa: {  	[smem:$0x3FB0] =	sst s2  }
0xb: {  	[smem:$0x3FB1] =	sst s3  }
0xc: {  	[smem:$0x3FB2] =	sst s4  }
0xd: {  	[smem:$0x3FB3] =	sst s5  }
0xe: {  	[smem:$0x3FB4] =	sst s6  }
0xf: {  	[smem:$0x3FB5] =	sst s7  }
0x10: {  	[smem:$0x3FB6] =	sst s8  }
0x11: {  	[smem:$0x3FB7] =	sst s9;
	s0 =	simm.s32 @!p0 $0x0  }
0x12: {  	s1 =	sld [smem:$0x3F9D];
	s0 =	simm.s32 @p0 $0x1  }
0x13: {  	[smem:$0x3FB8] =	sst s0;
	s0 =	simm.s32 @!p1 $0x0  }
0x14: {  	s2 =	sld [smem:$0x3F9C];
	s0 =	simm.s32 @p1 $0x1  }
0x15: {  	[smem:$0x3FB9] =	sst s0;
	s0 =	simm.s32 @!p2 $0x0  }
0x16: {  	s3 =	sld [smem:$0x3FDB];
	s0 =	simm.s32 @p2 $0x1  }
0x17: {  	s4 =	simm.s32 $0x1BF5;
	[smem:$0x3FBB] =	sst s0  }
0x18: {  	s0 =	sld [smem:$0x3F9E];
	_ =	swait.ge [sflag:s4], $0x0  }
0x19: {  	s7 =	sld [smem:$0x3F9F]  }
0x1a: {  	s8 =	sadd.s32 $0xFFFFE003, lr  }
0x1b: {  	s9 =	sadd.s32 $0xFFFFFEF7, lr;
	s5 =	simm.s32 $0xFFFFFFFF;
	p2 =	slt.u32 s8, $0xFFFFF086  }
0x1c: {  	p1 =	slt.u32 s9, $0xF7A;
	s5 =	simm.s32 @!p2 $0x0  }
0x1d: {  	s5 =	simm.s32 @p1 $0x1;
	p0 =	seq.s32 s7, s2  }
0x1e: {  	s7 =	smul.u32 @!p0 $0xF7A, s2;
	p2 =	seq.s32 @!p0 s5, $0x0  }
0x1f: {  	s9 =	smul.u32 $0xF7A, s1;
	s8 =	simm.s32 @!p0 $0x1BF5;
	p2 =	por !p2, p0  }
0x20: {  	[sflag:s8] =	ssyncset.s32 @!p0 $0xFFFFF086;
	s6 =	sadd.s32 @!p0 s3, s7;
	s7 =	simm.s32 @!p0 $0x108  }
0x21: {  	s3 =	sadd.s32 s3, s9;
	s6 =	sadd.s32 @!p0 $0x88, s6;
	s7 =	simm.s32 @p2 $0x1082  }
0x22: {  	[simem:s7], [sflag:s8] =	dma.local @!p0 [hbm:s6], $0xF7A  }
0x23: {  	s9 =	sor.u32 $0xD0000000, s2;
	s6 =	simm.s32 $0x108;
	_ =	swait.ge @!p0 [sflag:s8], $0x0  }
0x24: {  	s3 =	sadd.s32 $0x88, s3;
	s6 =	simm.s32 @!p1 $0x1082;
	[sflag:s4] =	ssyncset.s32 $0xFFFFF086  }
0x25: {  	[simem:s6], [sflag:s4] =	dma.local [hbm:s3], $0xF7A  }
0x26: {  	[smem:$0x3F9F] =	sst s1;
	(tag) =	ssettag s2;
	_ =	strace s9  }
0x27: {  	s1 =	sld [smem:$0x3FAF]  }
0x28: {  	s2 =	sld [smem:$0x3FB0]  }
0x29: {  	s4 =	sld [smem:$0x3FB2]  }
0x2a: {  	p0 =	seq.s32 s5, $0x0;
	s5 =	sld [smem:$0x3FB3]  }
0x2b: {  	s6 =	sld [smem:$0x3FB4]  }
0x2c: {  	s7 =	sld [smem:$0x3FB5]  }
0x2d: {  	s3 =	simm.s32 $0x108;
	s8 =	sld [smem:$0x3FB6]  }
0x2e: {  	s3 =	simm.s32 @!p0 $0x1082;
	s9 =	sld [smem:$0x3FB7]  }
0x2f: {  	lr =	sadd.s32 s0, s3;
	s0 =	sld [smem:$0x3FAE]  }
0x30: {  	s3 =	sld [smem:$0x3FB1]  }
0x31: {  	[smem:$0x3FBA] =	sst s10  }
0x32: {  	s10 =	sld [smem:$0x3FB8];
	_ =	sdelay $0x3  }
0x33: {  	p0 =	seq.s32 s10, $0x1;
	s10 =	sld [smem:$0x3FBA];
	_ =	sdelay $0x3  }
0x34: {  	[smem:$0x3FBA] =	sst s10  }
0x35: {  	s10 =	sld [smem:$0x3FB9];
	_ =	sdelay $0x3  }
0x36: {  	p1 =	seq.s32 s10, $0x1;
	s10 =	sld [smem:$0x3FBA];
	_ =	sdelay $0x3  }
0x37: {  	[smem:$0x3FBA] =	sst s10  }
0x38: {  	s10 =	sld [smem:$0x3FBB]  }
0x39: {  	_ = 	snop;
	(pc) =	sbr.ind lr, $3  }
0x3a: {  	_ = 	snop  }
0x3b: {  	_ = 	snop  }
0x3c: {  	p2 =	seq.s32 s10, $0x1;
	s10 =	sld [smem:$0x3FBA]  }
0x3d: {  	_ =	shalt  }
0x3e: {  	_ =	shalt  }
0x3f: {  	_ =	shalt  }
0x40: {  	_ =	shalt  }
0x41: {  	_ =	shalt  }
0x42: {  	_ =	shalt  }
0x43: {  	_ =	shalt  }
0x44: {  	_ =	shalt  }
0x45: {  	_ =	shalt  }
0x46: {  	_ =	shalt  }
0x47: {  	_ =	shalt  }
0x48: {  	_ =	shalt  }
0x49: {  	_ =	shalt  }
0x4a: {  	_ =	shalt  }
0x4b: {  	_ =	shalt  }
0x4c: {  	_ =	shalt  }
0x4d: {  	_ =	shalt  }
0x4e: {  	_ =	shalt  }
0x4f: {  	_ =	shalt  }
0x50: {  	_ =	shalt  }
0x51: {  	_ =	shalt  }
0x52: {  	_ =	shalt  }
0x53: {  	_ =	shalt  }
0x54: {  	_ =	shalt  }
0x55: {  	_ =	shalt  }
0x56: {  	_ =	shalt  }
0x57: {  	_ =	shalt  }
0x58: {  	_ =	shalt  }
0x59: {  	_ =	shalt  }
0x5a: {  	_ =	shalt  }
0x5b: {  	_ =	shalt  }
0x5c: {  	_ =	shalt  }
0x5d: {  	_ =	shalt  }
0x5e: {  	_ =	shalt  }
0x5f: {  	_ =	shalt  }
0x60: {  	_ =	shalt  }
0x61: {  	_ =	shalt  }
0x62: {  	_ =	shalt  }
0x63: {  	_ =	shalt  }
0x64: {  	_ =	shalt  }
0x65: {  	_ =	shalt  }
0x66: {  	_ =	shalt  }
0x67: {  	_ =	shalt  }
0x68: {  	_ =	shalt  }
0x69: {  	_ =	shalt  }
0x6a: {  	_ =	shalt  }
0x6b: {  	_ =	shalt  }
0x6c: {  	_ =	shalt  }
0x6d: {  	_ =	shalt  }
0x6e: {  	_ =	shalt  }
0x6f: {  	_ =	shalt  }
0x70: {  	_ =	shalt  }
0x71: {  	_ =	shalt  }
0x72: {  	_ =	shalt  }
0x73: {  	_ =	shalt  }
0x74: {  	_ =	shalt  }
0x75: {  	_ =	shalt  }
0x76: {  	_ =	shalt  }
0x77: {  	_ =	shalt  }
0x78: {  	_ =	shalt  }
0x79: {  	_ =	shalt  }
0x7a: {  	_ =	shalt  }
0x7b: {  	_ =	shalt  }
0x7c: {  	_ =	shalt  }
0x7d: {  	_ =	shalt  }
0x7e: {  	_ =	shalt  }
0x7f: {  	_ =	shalt  }
0x80: {  	_ =	shalt  }
0x81: {  	_ =	shalt  }
0x82: {  	_ =	shalt  }
0x83: {  	_ =	shalt  }
0x84: {  	_ =	shalt  }
0x85: {  	_ =	shalt  }
0x86: {  	_ =	shalt  }
0x87: {  	_ =	shalt  }
.Lfunc_end0:
.L_simem_size_0:
called_computation_lowered:
.L_overlay_start_0:
0x88: {  	s2 =	sld [smem:$0x3FD9]  }
0x89: {  	s3 =	sld [smem:$0x3FFE];
	_ =	sdelay $0x1  }
0x8a: {  	s1 =	srdreg.scid  }
0x8b: {  	s0 =	sand.u32 $0x1, s1  }
0x8c: {  	s17 =	sshll.u32 s0, $0xA;
	s2 =	sadd.s32 s3, s2  }
0x8d: {  	s2 =	sadd.s32 s2, s17  }
0x8e: {  	[smem:$0x3FC6] =	sst s2  }
0x8f: {  	_ = 	snop  }
0x90: {  	s2 =	sld [smem:$0x3FC8]  }
0x91: {  	s18 =	sld [smem:$0x3FD0];
	(tm) =	ssettm $0x1  }
0x92: {  	s4 =	sld [smem:$0x3FFB];
	_ =	sdelay $0x3  }
0x93: {  	_ =	strace s4  }
0x94: {  	s4 =	sld [smem:$0x3FFC];
	_ =	sdelay $0x3  }
0x95: {  	_ =	strace s4  }
0x96: {  	s4 =	sld [smem:$0x3FFD];
	_ =	sdelay $0x3  }
0x97: {  	_ =	strace s4  }
0x98: {  	_ =	strace $0x8FFFFFFF  }
0x99: {  	s19 =	sld [smem:$0x3FDB];
	_ =	sdelay $0x1  }
0x9a: {  	s5 =	simm.s32 $_scs_section_size  }
0x9b: {  	s6 =	simm.s32 $_size__tile_overlayer_lowered;
	s7 =	simm.s32 $_tile_overlayer_lowered  }
0x9c: {  	s22 =	simm.s32 $0x1BFF;
	s21 =	sshll.u32 s7, $0x1;
	s4 =	sadd.s32 s5, s19  }
0x9d: {  	s8 =	simm.s32 $0x0;
	s20 =	sshll.u32 s6, $0x1;
	s6 =	sadd.s32 s21, s4  }
0x9e: {  	[timem:s8], [sflag:s22] =	dma.local [hbm:s6], s20  }
0x9f: {  	_ =	swait.ge [sflag:s22], s20  }
0xa0: {  	s5 =	ssub.s32 $0x0, s20;
	[sflag:s22] =	ssyncset.done $0x0  }
0xa1: {  	[sflag:s22] =	ssyncadd.s32 s5;
	_ =	sdelay $0x1  }
0xa2: {  	s23 =	simm.s32 $0x1B8B  }
0xa3: {  	_ =	swait.ge [sflag:s23], $0x1  }
0xa4: {  	[sflag:s23] =	ssyncset.done $0x0  }
0xa5: {  	s25 =	simm.s32 $0x1B8E;
	s24 =	sld [smem:$0x3FFE];
	[sflag:s23] =	ssyncadd.s32 $0xFFFFFFFF  }
0xa6: {  	s26 =	simm.s32 $execute0_lowered;
	[smem:$0x3FD2] =	sst s25  }
0xa7: {  	s6 =	sshll.u32 s26, $0x1;
	_ =	strace $0x80000046;
	[dreg:$0x1] =	wrdreg $0xFFFFFFFF  }
0xa8: {  	s28 =	simm.s32 $_size_execute0_lowered;
	s4 =	sadd.s32 s4, s6;
	[dreg:$0x0] =	wrdreg $0x0  }
0xa9: {  	s6 =	sshll.u32 s28, $0x1;
	[dreg:$0x2] =	wrdreg s4  }
0xaa: {  	[dreg:$0x3] =	wrdreg s6  }
0xab: {  	[dreg:$0x4] =	wrdreg $0xC0  }
0xac: {  	_ =	task [dreg:s8], $0x5FFFF  }
0xad: {  	[dreg:$0x1] =	wrdreg $0xFFFFFFFF  }
0xae: {  	[dreg:$0x0] =	wrdreg $0x60  }
0xaf: {  	[dreg:$0x2] =	wrdreg s24  }
0xb0: {  	[dreg:$0x3] =	wrdreg s2  }
0xb1: {  	[dreg:$0x4] =	wrdreg s18  }
0xb2: {  	[dreg:$0x5] =	wrdreg $0x9  }
0xb3: {  	_ =	task.clear_ibuf [dreg:s8], $0x6FFFF;
	_ =	strace $0x90000046  }
0xb4: {  	s29 =	simm.s32 $0x9;
	_ =	strace $0x80000048  }
0xb5: {  	_ =	swait.ge [sflag:s29], $0x1  }
0xb6: {  	[sflag:s29] =	ssyncadd.s32 $0xFFFFFFFF  }
0xb7: {  	_ =	strace $0x90000048  }
0xb8: {  	_ =	sfence  }
0xb9: {  	s30 =	sld [smem:$0x0];
	_ =	sdelay $0x2  }
0xba: {  	s31 =	sshll.u32 s1, $0xD;
	s1 =	sshrl.u32 s1, $0x2  }
0xbb: {  	s3 =	sand.u32 $0x4000, s31;
	s1 =	sadd.s32 s1, s30  }
0xbc: {  	s0 =	sor.u32 s3, s0;
	s1 =	sshll.u32 s1, $0x11  }
0xbd: {  	s0 =	sor.u32 s1, s0  }
0xbe: {  	s0 =	sadd.s32 $0x8F2B, s0  }
0xbf: {  	[sflag:s0] =	ssyncadd.remote.s32 $0x1  }
0xc0: {  	_ =	sfence.sel $0xFFFF  }
0xc1: {  	[dreg:$0x0] =	wrdreg $0xFFFFFFFF;
	(pc) =	sbr.abs _section_cstart, $3  }
0xc2: {  	[dreg:$0x1] =	wrdreg $0xFFFFFFFF  }
0xc3: {  	_ =	task.clear_ibuf [dreg:s8], $0x2FFFF;
	_ =	strace $0x9FFFFFFF  }
0xc4: {  	(tm) =	ssettm $0x7FFFFFFF  }
0xc5: {  	_ =	shalt  }
tec
execute0_lowered:
.L_overlay_start_1:
0x0: {  	(tag) =	ssettag $0x1  }
0x1: {  	s0 =	rddreg [dreg:$0x0]  }
0x2: {  	s29 =	rddreg [dreg:$0x1];
	s1 =	srdreg.scid  }
0x3: {  	s2 =	stileid.u32;
	s20 =	rddreg [dreg:$0x2];
	s4 =	simm.s32 $0x0  }
0x4: {  	s30 =	simm.s32 $0x3900;
	s31 =	simm.s32 $0x4100;
	s1 =	sand.u32 $0x1, s1  }
0x5: {  	s3 =	sshll.u32 s2, $0x1;
	[smem:$0x7FF] =	sst s4;
	s7 =	sadd.s32 $0x400, s29  }
0x6: {  	s8 =	sadd.s32 $0x600, s29;
	s9 =	sadd.s32 $0x800, s29;
	s10 =	sadd.s32 $0xA00, s29  }
0x7: {  	s11 =	sadd.s32 $0xC00, s29;
	s12 =	sadd.s32 $0xE00, s29;
	s13 =	sadd.s32 $0x1000, s29  }
0x8: {  	s14 =	sadd.s32 $0x1200, s29;
	s15 =	sadd.s32 $0x1400, s29;
	s16 =	sadd.s32 $0x1600, s29  }
0x9: {  	s17 =	sadd.s32 $0x1800, s29;
	s18 =	sadd.s32 $0x1A00, s29;
	s22 =	sshll.u32 s2, $0x12  }
0xa: {  	s2 =	simm.s32 $0x1100;
	s3 =	sor.u32 s1, s3;
	s6 =	ssub.s32 $0x2, s1  }
0xb: {  	_ =	strace $0x80000047;
	s1 =	sshll.u32 s1, $0x11;
	s5 =	sshll.u32 s3, $0x5  }
0xc: {  	s19 =	sshrl.u32 s6, $0x1;
	s21 =	sshll.u32 s3, $0x11;
	s0 =	sadd.s32 s5, s0  }
0xd: {  	s5 =	ssub.s32 s6, s19;
	s6 =	sadd.s32 $0x200, s29;
	s3 =	sadd.s32 s20, s21  }
0xe: {  	s19 =	sadd.s32 $0x1C00, s29;
	s0 =	sadd.s32 $0x400, s0;
	[dreg:$0x6] =	wrdreg s3  }
0xf: {  	s21 =	sadd.s32 $0x1E00, s29;
	s23 =	sadd.s32 $0x40, s3;
	[dreg:$0x5] =	wrdreg s0  }
0x10: {  	s20 =	simm.s32 $0x8900;
	s24 =	sadd.s32 $0x2000, s3;
	[dreg:$0x7] =	wrdreg s23  }
0x11: {  	s25 =	sadd.s32 $0x1E000, s3;
	s26 =	smax.u32 s5, $0x1;
	[dreg:$0x8] =	wrdreg s24  }
0x12: {  	s28 =	sadd.s32 $0x1E040, s3;
	s3 =	simm.s32 $0x1900;
	[dreg:$0x9] =	wrdreg s25  }
0x13: {  	v0 =	vlaneseq.u32;
	s5 =	simm.s32 $0x0;
	s0 =	sor.u32 s1, s22;
	[dreg:$0xa] =	wrdreg s26  }
0x14: {  	v1 =	vshrl.u32 v0, $0x2;
	[dreg:$0xb] =	wrdreg s28;
	s1 =	simm.s32 $0x900;
	s22 =	simm.s32 $0x2100  }
0x15: {  	vm0 =	vmmov $0xffff;
	v0 =	vand.u32 $0x3, v0;
	v1 =	vmul.u32 $0x8, v1;
	s23 =	simm.s32 $0x2900;
	s26 =	simm.s32 $0x3100;
	[dreg:$0x4] =	wrdreg s0  }
.LBB2_1:
0x16: {  	[dreg:$0xc] =	wrdreg s5  }
0x17: {  	s0 =	rddreg [dreg:$0x5];
	s5 =	simm.s32 $0x7  }
0x18: {  	[tilespmem:s4], [sflag:$0x7] =	stream.linear.gather [hbm4b:s0+s4], $0x100, $0x38;
	[tilespmem:$0x18100] =	vst v63  }
0x19: {  	_ =	swait.ge [sflag:s5], $0x100  }
0x1a: {  	[sflag:s5] =	ssyncset.done $0x0  }
0x1b: {  	[sflag:s5] =	ssyncadd.s32 $0xFFFFFF00  }
0x1c: {  	v2 =	vld.msk [tilespmem:$0x0], $0xf;
	_ =	sdelay $0x4  }
0x1d: {  	v3 =	vshll.u32 v2, $0x6  }
0x1e: {  	v2 =	vand.u32 $0x7, v2;
	v3 =	vand.u32 $0xFFFFFE00, v3  }
0x1f: {  	v2 =	vor.u32 v2, v3  }
0x20: {  	v2 =	vperm.xlane v2, v0;
	_ =	sdelay $0x1  }
0x21: {  	v2 =	vadd.s32 v1, v2;
	_ =	sdelay $0x3  }
0x22: {  	s5 =	simm.s32 $0x100  }
0x23: {  	[tilespmem:s5], [sflag:$0x1] =	stream.indirect_vreg.gather [hbm4b:s29+s4], $0x80, v2, vm0, $0xb8;
	[tilespmem:$0x18100] =	vst v63  }
0x24: {  	_ = 	snop  }
0x25: {  	[tilespmem:s1], [sflag:$0x1] =	stream.indirect_vreg.gather [hbm4b:s6+s4], $0x80, v2, vm0, $0xb8;
	[tilespmem:$0x18100] =	vst v63  }
0x26: {  	_ = 	snop  }
0x27: {  	[tilespmem:s2], [sflag:$0x1] =	stream.indirect_vreg.gather [hbm4b:s7+s4], $0x80, v2, vm0, $0xb8;
	[tilespmem:$0x18100] =	vst v63  }
0x28: {  	_ = 	snop  }
0x29: {  	[tilespmem:s3], [sflag:$0x1] =	stream.indirect_vreg.gather [hbm4b:s8+s4], $0x80, v2, vm0, $0xb8;
	[tilespmem:$0x18100] =	vst v63  }
0x2a: {  	_ = 	snop  }
0x2b: {  	[tilespmem:s22], [sflag:$0x1] =	stream.indirect_vreg.gather [hbm4b:s9+s4], $0x80, v2, vm0, $0xb8;
	[tilespmem:$0x18100] =	vst v63  }
0x2c: {  	_ = 	snop  }
0x2d: {  	[tilespmem:s23], [sflag:$0x1] =	stream.indirect_vreg.gather [hbm4b:s10+s4], $0x80, v2, vm0, $0xb8;
	[tilespmem:$0x18100] =	vst v63  }
0x2e: {  	_ = 	snop  }
0x2f: {  	[tilespmem:s26], [sflag:$0x1] =	stream.indirect_vreg.gather [hbm4b:s11+s4], $0x80, v2, vm0, $0xb8;
	[tilespmem:$0x18100] =	vst v63  }
0x30: {  	_ = 	snop  }
0x31: {  	[tilespmem:s30], [sflag:$0x1] =	stream.indirect_vreg.gather [hbm4b:s12+s4], $0x80, v2, vm0, $0xb8;
	[tilespmem:$0x18100] =	vst v63  }
0x32: {  	_ = 	snop  }
0x33: {  	[tilespmem:s31], [sflag:$0x1] =	stream.indirect_vreg.gather [hbm4b:s13+s4], $0x80, v2, vm0, $0xb8;
	[tilespmem:$0x18100] =	vst v63  }
0x34: {  	s25 =	simm.s32 $0x4900  }
0x35: {  	[tilespmem:s25], [sflag:$0x1] =	stream.indirect_vreg.gather [hbm4b:s14+s4], $0x80, v2, vm0, $0xb8;
	[tilespmem:$0x18100] =	vst v63  }
0x36: {  	s24 =	simm.s32 $0x5100  }
0x37: {  	[tilespmem:s24], [sflag:$0x1] =	stream.indirect_vreg.gather [hbm4b:s15+s4], $0x80, v2, vm0, $0xb8;
	[tilespmem:$0x18100] =	vst v63  }
0x38: {  	s28 =	simm.s32 $0x5900  }
0x39: {  	[tilespmem:s28], [sflag:$0x1] =	stream.indirect_vreg.gather [hbm4b:s16+s4], $0x80, v2, vm0, $0xb8;
	[tilespmem:$0x18100] =	vst v63  }
0x3a: {  	s24 =	simm.s32 $0x6100  }
0x3b: {  	[tilespmem:s24], [sflag:$0x1] =	stream.indirect_vreg.gather [hbm4b:s17+s4], $0x80, v2, vm0, $0xb8;
	[tilespmem:$0x18100] =	vst v63  }
0x3c: {  	s28 =	simm.s32 $0x6900  }
0x3d: {  	[tilespmem:s28], [sflag:$0x1] =	stream.indirect_vreg.gather [hbm4b:s18+s4], $0x80, v2, vm0, $0xb8;
	[tilespmem:$0x18100] =	vst v63  }
0x3e: {  	s24 =	simm.s32 $0x7100  }
0x3f: {  	[tilespmem:s24], [sflag:$0x1] =	stream.indirect_vreg.gather [hbm4b:s19+s4], $0x80, v2, vm0, $0xb8;
	[tilespmem:$0x18100] =	vst v63  }
0x40: {  	s28 =	simm.s32 $0x7900  }
0x41: {  	[tilespmem:s28], [sflag:$0x1] =	stream.indirect_vreg.gather [hbm4b:s21+s4], $0x80, v2, vm0, $0xb8;
	[tilespmem:$0x18100] =	vst v63  }
0x42: {  	v2 =	vld.msk [tilespmem:$0x8], $0xf;
	_ =	sdelay $0x4  }
0x43: {  	v3 =	vshll.u32 v2, $0x6  }
0x44: {  	v2 =	vand.u32 $0x7, v2;
	v3 =	vand.u32 $0xFFFFFE00, v3  }
0x45: {  	v2 =	vor.u32 v2, v3  }
0x46: {  	v2 =	vperm.xlane v2, v0;
	_ =	sdelay $0x1  }
0x47: {  	v2 =	vadd.s32 v1, v2;
	_ =	sdelay $0x3  }
0x48: {  	s24 =	simm.s32 $0x8100  }
0x49: {  	[tilespmem:s24], [sflag:$0x2] =	stream.indirect_vreg.gather [hbm4b:s29+s4], $0x80, v2, vm0, $0xb8;
	[tilespmem:$0x18100] =	vst v63  }
0x4a: {  	_ = 	snop  }
0x4b: {  	[tilespmem:s20], [sflag:$0x2] =	stream.indirect_vreg.gather [hbm4b:s6+s4], $0x80, v2, vm0, $0xb8;
	[tilespmem:$0x18100] =	vst v63  }
0x4c: {  	s28 =	simm.s32 $0x9100  }
0x4d: {  	[tilespmem:s28], [sflag:$0x2] =	stream.indirect_vreg.gather [hbm4b:s7+s4], $0x80, v2, vm0, $0xb8;
	[tilespmem:$0x18100] =	vst v63  }
0x4e: {  	s24 =	simm.s32 $0x9900  }
0x4f: {  	[tilespmem:s24], [sflag:$0x2] =	stream.indirect_vreg.gather [hbm4b:s8+s4], $0x80, v2, vm0, $0xb8;
	[tilespmem:$0x18100] =	vst v63  }
0x50: {  	s28 =	simm.s32 $0xA100  }
0x51: {  	[tilespmem:s28], [sflag:$0x2] =	stream.indirect_vreg.gather [hbm4b:s9+s4], $0x80, v2, vm0, $0xb8;
	[tilespmem:$0x18100] =	vst v63  }
0x52: {  	s24 =	simm.s32 $0xA900  }
0x53: {  	[tilespmem:s24], [sflag:$0x2] =	stream.indirect_vreg.gather [hbm4b:s10+s4], $0x80, v2, vm0, $0xb8;
	[tilespmem:$0x18100] =	vst v63  }
0x54: {  	s28 =	simm.s32 $0xB100  }
0x55: {  	[tilespmem:s28], [sflag:$0x2] =	stream.indirect_vreg.gather [hbm4b:s11+s4], $0x80, v2, vm0, $0xb8;
	[tilespmem:$0x18100] =	vst v63  }
0x56: {  	s24 =	simm.s32 $0xB900  }
0x57: {  	[tilespmem:s24], [sflag:$0x2] =	stream.indirect_vreg.gather [hbm4b:s12+s4], $0x80, v2, vm0, $0xb8;
	[tilespmem:$0x18100] =	vst v63  }
0x58: {  	s28 =	simm.s32 $0xC100  }
0x59: {  	[tilespmem:s28], [sflag:$0x2] =	stream.indirect_vreg.gather [hbm4b:s13+s4], $0x80, v2, vm0, $0xb8;
	[tilespmem:$0x18100] =	vst v63  }
0x5a: {  	s24 =	simm.s32 $0xC900  }
0x5b: {  	[tilespmem:s24], [sflag:$0x2] =	stream.indirect_vreg.gather [hbm4b:s14+s4], $0x80, v2, vm0, $0xb8;
	[tilespmem:$0x18100] =	vst v63  }
0x5c: {  	s28 =	simm.s32 $0xD100  }
0x5d: {  	[tilespmem:s28], [sflag:$0x2] =	stream.indirect_vreg.gather [hbm4b:s15+s4], $0x80, v2, vm0, $0xb8;
	[tilespmem:$0x18100] =	vst v63  }
0x5e: {  	s24 =	simm.s32 $0xD900  }
0x5f: {  	[tilespmem:s24], [sflag:$0x2] =	stream.indirect_vreg.gather [hbm4b:s16+s4], $0x80, v2, vm0, $0xb8;
	[tilespmem:$0x18100] =	vst v63  }
0x60: {  	s28 =	simm.s32 $0xE100  }
0x61: {  	[tilespmem:s28], [sflag:$0x2] =	stream.indirect_vreg.gather [hbm4b:s17+s4], $0x80, v2, vm0, $0xb8;
	[tilespmem:$0x18100] =	vst v63  }
0x62: {  	s24 =	simm.s32 $0xE900  }
0x63: {  	[tilespmem:s24], [sflag:$0x2] =	stream.indirect_vreg.gather [hbm4b:s18+s4], $0x80, v2, vm0, $0xb8;
	[tilespmem:$0x18100] =	vst v63  }
0x64: {  	s28 =	simm.s32 $0xF100  }
0x65: {  	[tilespmem:s28], [sflag:$0x2] =	stream.indirect_vreg.gather [hbm4b:s19+s4], $0x80, v2, vm0, $0xb8;
	[tilespmem:$0x18100] =	vst v63  }
0x66: {  	s24 =	simm.s32 $0xF900  }
0x67: {  	[tilespmem:s24], [sflag:$0x2] =	stream.indirect_vreg.gather [hbm4b:s21+s4], $0x80, v2, vm0, $0xb8;
	[tilespmem:$0x18100] =	vst v63  }
0x68: {  	v2 =	vld.msk [tilespmem:$0x10], $0xf;
	_ =	sdelay $0x4  }
0x69: {  	v3 =	vshll.u32 v2, $0x6  }
0x6a: {  	v2 =	vand.u32 $0x7, v2;
	v3 =	vand.u32 $0xFFFFFE00, v3  }
0x6b: {  	v2 =	vor.u32 v2, v3  }
0x6c: {  	v2 =	vperm.xlane v2, v0;
	_ =	sdelay $0x1  }
0x6d: {  	v2 =	vadd.s32 v1, v2;
	_ =	sdelay $0x3  }
0x6e: {  	s28 =	simm.s32 $0x10100  }
0x6f: {  	[tilespmem:s28], [sflag:$0x3] =	stream.indirect_vreg.gather [hbm4b:s29+s4], $0x80, v2, vm0, $0xb8;
	[tilespmem:$0x18100] =	vst v63  }
0x70: {  	s24 =	simm.s32 $0x10900  }
0x71: {  	[tilespmem:s24], [sflag:$0x3] =	stream.indirect_vreg.gather [hbm4b:s6+s4], $0x80, v2, vm0, $0xb8;
	[tilespmem:$0x18100] =	vst v63  }
0x72: {  	s28 =	simm.s32 $0x11100  }
0x73: {  	[tilespmem:s28], [sflag:$0x3] =	stream.indirect_vreg.gather [hbm4b:s7+s4], $0x80, v2, vm0, $0xb8;
	[tilespmem:$0x18100] =	vst v63  }
0x74: {  	s24 =	simm.s32 $0x11900  }
0x75: {  	[tilespmem:s24], [sflag:$0x3] =	stream.indirect_vreg.gather [hbm4b:s8+s4], $0x80, v2, vm0, $0xb8;
	[tilespmem:$0x18100] =	vst v63  }
0x76: {  	s28 =	simm.s32 $0x12100  }
0x77: {  	[tilespmem:s28], [sflag:$0x3] =	stream.indirect_vreg.gather [hbm4b:s9+s4], $0x80, v2, vm0, $0xb8;
	[tilespmem:$0x18100] =	vst v63  }
0x78: {  	s24 =	simm.s32 $0x12900  }
0x79: {  	[tilespmem:s24], [sflag:$0x3] =	stream.indirect_vreg.gather [hbm4b:s10+s4], $0x80, v2, vm0, $0xb8;
	[tilespmem:$0x18100] =	vst v63  }
0x7a: {  	s28 =	simm.s32 $0x13100  }
0x7b: {  	[tilespmem:s28], [sflag:$0x3] =	stream.indirect_vreg.gather [hbm4b:s11+s4], $0x80, v2, vm0, $0xb8;
	[tilespmem:$0x18100] =	vst v63  }
0x7c: {  	s24 =	simm.s32 $0x13900  }
0x7d: {  	[tilespmem:s24], [sflag:$0x3] =	stream.indirect_vreg.gather [hbm4b:s12+s4], $0x80, v2, vm0, $0xb8;
	[tilespmem:$0x18100] =	vst v63  }
0x7e: {  	s28 =	simm.s32 $0x14100  }
0x7f: {  	[tilespmem:s28], [sflag:$0x3] =	stream.indirect_vreg.gather [hbm4b:s13+s4], $0x80, v2, vm0, $0xb8;
	[tilespmem:$0x18100] =	vst v63  }
0x80: {  	s24 =	simm.s32 $0x14900  }
0x81: {  	[tilespmem:s24], [sflag:$0x3] =	stream.indirect_vreg.gather [hbm4b:s14+s4], $0x80, v2, vm0, $0xb8;
	[tilespmem:$0x18100] =	vst v63  }
0x82: {  	s28 =	simm.s32 $0x15100  }
0x83: {  	[tilespmem:s28], [sflag:$0x3] =	stream.indirect_vreg.gather [hbm4b:s15+s4], $0x80, v2, vm0, $0xb8;
	[tilespmem:$0x18100] =	vst v63  }
0x84: {  	s24 =	simm.s32 $0x15900  }
0x85: {  	[tilespmem:s24], [sflag:$0x3] =	stream.indirect_vreg.gather [hbm4b:s16+s4], $0x80, v2, vm0, $0xb8;
	[tilespmem:$0x18100] =	vst v63  }
0x86: {  	s28 =	simm.s32 $0x16100  }
0x87: {  	[tilespmem:s28], [sflag:$0x3] =	stream.indirect_vreg.gather [hbm4b:s17+s4], $0x80, v2, vm0, $0xb8;
	[tilespmem:$0x18100] =	vst v63  }
0x88: {  	s24 =	simm.s32 $0x16900  }
0x89: {  	[tilespmem:s24], [sflag:$0x3] =	stream.indirect_vreg.gather [hbm4b:s18+s4], $0x80, v2, vm0, $0xb8;
	[tilespmem:$0x18100] =	vst v63  }
0x8a: {  	s28 =	simm.s32 $0x17100  }
0x8b: {  	[tilespmem:s28], [sflag:$0x3] =	stream.indirect_vreg.gather [hbm4b:s19+s4], $0x80, v2, vm0, $0xb8;
	[tilespmem:$0x18100] =	vst v63  }
0x8c: {  	s24 =	simm.s32 $0x17900;
	s28 =	simm.s32 $0x1  }
0x8d: {  	[tilespmem:s24], [sflag:$0x3] =	stream.indirect_vreg.gather [hbm4b:s21+s4], $0x80, v2, vm0, $0xb8;
	[tilespmem:$0x18100] =	vst v63  }
0x8e: {  	_ =	swait.ge [sflag:s28], $0x8000  }
0x8f: {  	s24 =	simm.s32 $0x200;
	[sflag:s28] =	ssyncset.done $0x0  }
0x90: {  	s0 =	rddreg [dreg:$0x6];
	[sflag:s28] =	ssyncadd.s32 $0xFFFF8000;
	s28 =	simm.s32 $0x400  }
0x91: {  	[hbm4b:s0+s24] =	stream.strided.scatter [tilespmem:s5], [sflag:$0x4], $0x8000, s28, s24, $0x38;
	[tilespmem:$0x18100] =	vst v63  }
0x92: {  	s0 =	simm.s32 $0x4  }
0x93: {  	_ =	swait.ge [sflag:s0], $0x8000  }
0x94: {  	[sflag:s0] =	ssyncset.done $0x0  }
0x95: {  	[sflag:s0] =	ssyncadd.s32 $0xFFFF8000  }
0x96: {  	v2 =	vld.msk [tilespmem:$0x18], $0xf;
	_ =	sdelay $0x4  }
0x97: {  	v3 =	vshll.u32 v2, $0x6  }
0x98: {  	v2 =	vand.u32 $0x7, v2;
	v3 =	vand.u32 $0xFFFFFE00, v3  }
0x99: {  	v2 =	vor.u32 v2, v3  }
0x9a: {  	v2 =	vperm.xlane v2, v0;
	_ =	sdelay $0x1  }
0x9b: {  	v2 =	vadd.s32 v1, v2;
	_ =	sdelay $0x4  }
0x9c: {  	[tilespmem:s5], [sflag:$0x1] =	stream.indirect_vreg.gather [hbm4b:s29+s4], $0x80, v2, vm0, $0xb8;
	[tilespmem:$0x18100] =	vst v63  }
0x9d: {  	_ = 	snop  }
0x9e: {  	[tilespmem:s1], [sflag:$0x1] =	stream.indirect_vreg.gather [hbm4b:s6+s4], $0x80, v2, vm0, $0xb8;
	[tilespmem:$0x18100] =	vst v63  }
0x9f: {  	_ = 	snop  }
0xa0: {  	[tilespmem:s2], [sflag:$0x1] =	stream.indirect_vreg.gather [hbm4b:s7+s4], $0x80, v2, vm0, $0xb8;
	[tilespmem:$0x18100] =	vst v63  }
0xa1: {  	_ = 	snop  }
0xa2: {  	[tilespmem:s3], [sflag:$0x1] =	stream.indirect_vreg.gather [hbm4b:s8+s4], $0x80, v2, vm0, $0xb8;
	[tilespmem:$0x18100] =	vst v63  }
0xa3: {  	_ = 	snop  }
0xa4: {  	[tilespmem:s22], [sflag:$0x1] =	stream.indirect_vreg.gather [hbm4b:s9+s4], $0x80, v2, vm0, $0xb8;
	[tilespmem:$0x18100] =	vst v63  }
0xa5: {  	_ = 	snop  }
0xa6: {  	[tilespmem:s23], [sflag:$0x1] =	stream.indirect_vreg.gather [hbm4b:s10+s4], $0x80, v2, vm0, $0xb8;
	[tilespmem:$0x18100] =	vst v63  }
0xa7: {  	_ = 	snop  }
0xa8: {  	[tilespmem:s26], [sflag:$0x1] =	stream.indirect_vreg.gather [hbm4b:s11+s4], $0x80, v2, vm0, $0xb8;
	[tilespmem:$0x18100] =	vst v63  }
0xa9: {  	_ = 	snop  }
0xaa: {  	[tilespmem:s30], [sflag:$0x1] =	stream.indirect_vreg.gather [hbm4b:s12+s4], $0x80, v2, vm0, $0xb8;
	[tilespmem:$0x18100] =	vst v63  }
0xab: {  	_ = 	snop  }
0xac: {  	[tilespmem:s31], [sflag:$0x1] =	stream.indirect_vreg.gather [hbm4b:s13+s4], $0x80, v2, vm0, $0xb8;
	[tilespmem:$0x18100] =	vst v63  }
0xad: {  	_ = 	snop  }
0xae: {  	[tilespmem:s25], [sflag:$0x1] =	stream.indirect_vreg.gather [hbm4b:s14+s4], $0x80, v2, vm0, $0xb8;
	[tilespmem:$0x18100] =	vst v63  }
0xaf: {  	s3 =	simm.s32 $0x5100  }
0xb0: {  	[tilespmem:s3], [sflag:$0x1] =	stream.indirect_vreg.gather [hbm4b:s15+s4], $0x80, v2, vm0, $0xb8;
	[tilespmem:$0x18100] =	vst v63  }
0xb1: {  	s5 =	simm.s32 $0x5900  }
0xb2: {  	[tilespmem:s5], [sflag:$0x1] =	stream.indirect_vreg.gather [hbm4b:s16+s4], $0x80, v2, vm0, $0xb8;
	[tilespmem:$0x18100] =	vst v63  }
0xb3: {  	s22 =	simm.s32 $0x6100  }
0xb4: {  	[tilespmem:s22], [sflag:$0x1] =	stream.indirect_vreg.gather [hbm4b:s17+s4], $0x80, v2, vm0, $0xb8;
	[tilespmem:$0x18100] =	vst v63  }
0xb5: {  	s23 =	simm.s32 $0x6900  }
0xb6: {  	[tilespmem:s23], [sflag:$0x1] =	stream.indirect_vreg.gather [hbm4b:s18+s4], $0x80, v2, vm0, $0xb8;
	[tilespmem:$0x18100] =	vst v63  }
0xb7: {  	s25 =	simm.s32 $0x7100  }
0xb8: {  	[tilespmem:s25], [sflag:$0x1] =	stream.indirect_vreg.gather [hbm4b:s19+s4], $0x80, v2, vm0, $0xb8;
	[tilespmem:$0x18100] =	vst v63  }
0xb9: {  	s26 =	simm.s32 $0x7900;
	s30 =	simm.s32 $0x2  }
0xba: {  	[tilespmem:s26], [sflag:$0x1] =	stream.indirect_vreg.gather [hbm4b:s21+s4], $0x80, v2, vm0, $0xb8;
	[tilespmem:$0x18100] =	vst v63  }
0xbb: {  	_ =	swait.ge [sflag:s30], $0x8000  }
0xbc: {  	s2 =	simm.s32 $0x8100;
	[sflag:s30] =	ssyncset.done $0x0  }
0xbd: {  	s5 =	simm.s32 $0x5;
	s1 =	rddreg [dreg:$0x7];
	[sflag:s30] =	ssyncadd.s32 $0xFFFF8000  }
0xbe: {  	[hbm4b:s1+s24] =	stream.strided.scatter [tilespmem:s2], [sflag:$0x5], $0x8000, s28, s24, $0x38;
	[tilespmem:$0x18100] =	vst v63  }
0xbf: {  	_ =	swait.ge [sflag:s5], $0x8000  }
0xc0: {  	[sflag:s5] =	ssyncset.done $0x0  }
0xc1: {  	[sflag:s5] =	ssyncadd.s32 $0xFFFF8000  }
0xc2: {  	v2 =	vld.msk [tilespmem:$0x20], $0xf;
	_ =	sdelay $0x4  }
0xc3: {  	v3 =	vshll.u32 v2, $0x6  }
0xc4: {  	v2 =	vand.u32 $0x7, v2;
	v3 =	vand.u32 $0xFFFFFE00, v3  }
0xc5: {  	v2 =	vor.u32 v2, v3  }
0xc6: {  	v2 =	vperm.xlane v2, v0;
	_ =	sdelay $0x1  }
0xc7: {  	v2 =	vadd.s32 v1, v2;
	_ =	sdelay $0x3  }
0xc8: {  	s3 =	simm.s32 $0x8100  }
0xc9: {  	[tilespmem:s3], [sflag:$0x2] =	stream.indirect_vreg.gather [hbm4b:s29+s4], $0x80, v2, vm0, $0xb8;
	[tilespmem:$0x18100] =	vst v63  }
0xca: {  	_ = 	snop  }
0xcb: {  	[tilespmem:s20], [sflag:$0x2] =	stream.indirect_vreg.gather [hbm4b:s6+s4], $0x80, v2, vm0, $0xb8;
	[tilespmem:$0x18100] =	vst v63  }
0xcc: {  	s20 =	simm.s32 $0x9100  }
0xcd: {  	[tilespmem:s20], [sflag:$0x2] =	stream.indirect_vreg.gather [hbm4b:s7+s4], $0x80, v2, vm0, $0xb8;
	[tilespmem:$0x18100] =	vst v63  }
0xce: {  	s22 =	simm.s32 $0x9900  }
0xcf: {  	[tilespmem:s22], [sflag:$0x2] =	stream.indirect_vreg.gather [hbm4b:s8+s4], $0x80, v2, vm0, $0xb8;
	[tilespmem:$0x18100] =	vst v63  }
0xd0: {  	s23 =	simm.s32 $0xA100  }
0xd1: {  	[tilespmem:s23], [sflag:$0x2] =	stream.indirect_vreg.gather [hbm4b:s9+s4], $0x80, v2, vm0, $0xb8;
	[tilespmem:$0x18100] =	vst v63  }
0xd2: {  	s25 =	simm.s32 $0xA900  }
0xd3: {  	[tilespmem:s25], [sflag:$0x2] =	stream.indirect_vreg.gather [hbm4b:s10+s4], $0x80, v2, vm0, $0xb8;
	[tilespmem:$0x18100] =	vst v63  }
0xd4: {  	s26 =	simm.s32 $0xB100  }
0xd5: {  	[tilespmem:s26], [sflag:$0x2] =	stream.indirect_vreg.gather [hbm4b:s11+s4], $0x80, v2, vm0, $0xb8;
	[tilespmem:$0x18100] =	vst v63  }
0xd6: {  	s30 =	simm.s32 $0xB900  }
0xd7: {  	[tilespmem:s30], [sflag:$0x2] =	stream.indirect_vreg.gather [hbm4b:s12+s4], $0x80, v2, vm0, $0xb8;
	[tilespmem:$0x18100] =	vst v63  }
0xd8: {  	s1 =	simm.s32 $0xC100  }
0xd9: {  	[tilespmem:s1], [sflag:$0x2] =	stream.indirect_vreg.gather [hbm4b:s13+s4], $0x80, v2, vm0, $0xb8;
	[tilespmem:$0x18100] =	vst v63  }
0xda: {  	s2 =	simm.s32 $0xC900  }
0xdb: {  	[tilespmem:s2], [sflag:$0x2] =	stream.indirect_vreg.gather [hbm4b:s14+s4], $0x80, v2, vm0, $0xb8;
	[tilespmem:$0x18100] =	vst v63  }
0xdc: {  	s3 =	simm.s32 $0xD100  }
0xdd: {  	[tilespmem:s3], [sflag:$0x2] =	stream.indirect_vreg.gather [hbm4b:s15+s4], $0x80, v2, vm0, $0xb8;
	[tilespmem:$0x18100] =	vst v63  }
0xde: {  	s5 =	simm.s32 $0xD900  }
0xdf: {  	[tilespmem:s5], [sflag:$0x2] =	stream.indirect_vreg.gather [hbm4b:s16+s4], $0x80, v2, vm0, $0xb8;
	[tilespmem:$0x18100] =	vst v63  }
0xe0: {  	s20 =	simm.s32 $0xE100  }
0xe1: {  	[tilespmem:s20], [sflag:$0x2] =	stream.indirect_vreg.gather [hbm4b:s17+s4], $0x80, v2, vm0, $0xb8;
	[tilespmem:$0x18100] =	vst v63  }
0xe2: {  	s22 =	simm.s32 $0xE900  }
0xe3: {  	[tilespmem:s22], [sflag:$0x2] =	stream.indirect_vreg.gather [hbm4b:s18+s4], $0x80, v2, vm0, $0xb8;
	[tilespmem:$0x18100] =	vst v63  }
0xe4: {  	s23 =	simm.s32 $0xF100  }
0xe5: {  	[tilespmem:s23], [sflag:$0x2] =	stream.indirect_vreg.gather [hbm4b:s19+s4], $0x80, v2, vm0, $0xb8;
	[tilespmem:$0x18100] =	vst v63  }
0xe6: {  	s25 =	simm.s32 $0xF900  }
0xe7: {  	[tilespmem:s25], [sflag:$0x2] =	stream.indirect_vreg.gather [hbm4b:s21+s4], $0x80, v2, vm0, $0xb8;
	[tilespmem:$0x18100] =	vst v63  }
0xe8: {  	s25 =	simm.s32 $0x3  }
0xe9: {  	s0 =	simm.s32 $0x10100;
	_ =	swait.ge [sflag:s25], $0x8000  }
0xea: {  	s31 =	simm.s32 $0x0;
	s30 =	simm.s32 $0x10100;
	[sflag:s25] =	ssyncset.done $0x0  }
0xeb: {  	s1 =	simm.s32 $0x40;
	s26 =	rddreg [dreg:$0x8];
	[sflag:s25] =	ssyncadd.s32 $0xFFFF8000  }
0xec: {  	[hbm4b:s26+s24] =	stream.strided.scatter [tilespmem:s30], [sflag:$0x6], $0x8000, s28, s24, $0x38;
	[tilespmem:$0x18100] =	vst v63  }
0xed: {  	s3 =	simm.s32 $0x100;
	s26 =	simm.s32 $0x38;
	s23 =	rddreg [dreg:$0x2]  }
.LBB2_2:
0xee: {  	s2 =	simm.s32 $0x6  }
0xef: {  	_ =	swait.ge [sflag:s2], $0x8000  }
0xf0: {  	[sflag:s2] =	ssyncset.done $0x0  }
0xf1: {  	[sflag:s2] =	ssyncadd.s32 $0xFFFF8000  }
0xf2: {  	v2 =	vld.msk [tilespmem:s26+$0xFFFFFFF0], $0xf;
	_ =	sdelay $0x4  }
0xf3: {  	v3 =	vshll.u32 v2, $0x6  }
0xf4: {  	v2 =	vand.u32 $0x7, v2;
	v3 =	vand.u32 $0xFFFFFE00, v3  }
0xf5: {  	v2 =	vor.u32 v2, v3  }
0xf6: {  	v2 =	vperm.xlane v2, v0;
	_ =	sdelay $0x1  }
0xf7: {  	v2 =	vadd.s32 v1, v2;
	_ =	sdelay $0x4  }
0xf8: {  	[tilespmem:s0], [sflag:$0x3] =	stream.indirect_vreg.gather [hbm4b:s29+s4], $0x80, v2, vm0, $0xb8;
	[tilespmem:$0x18100] =	vst v63  }
0xf9: {  	s24 =	simm.s32 $0x10900  }
0xfa: {  	[tilespmem:s24], [sflag:$0x3] =	stream.indirect_vreg.gather [hbm4b:s6+s4], $0x80, v2, vm0, $0xb8;
	[tilespmem:$0x18100] =	vst v63  }
0xfb: {  	s28 =	simm.s32 $0x11100  }
0xfc: {  	[tilespmem:s28], [sflag:$0x3] =	stream.indirect_vreg.gather [hbm4b:s7+s4], $0x80, v2, vm0, $0xb8;
	[tilespmem:$0x18100] =	vst v63  }
0xfd: {  	s30 =	simm.s32 $0x11900  }
0xfe: {  	[tilespmem:s30], [sflag:$0x3] =	stream.indirect_vreg.gather [hbm4b:s8+s4], $0x80, v2, vm0, $0xb8;
	[tilespmem:$0x18100] =	vst v63  }
0xff: {  	s2 =	simm.s32 $0x12100  }
0x100: {  	[tilespmem:s2], [sflag:$0x3] =	stream.indirect_vreg.gather [hbm4b:s9+s4], $0x80, v2, vm0, $0xb8;
	[tilespmem:$0x18100] =	vst v63  }
0x101: {  	s5 =	simm.s32 $0x12900  }
0x102: {  	[tilespmem:s5], [sflag:$0x3] =	stream.indirect_vreg.gather [hbm4b:s10+s4], $0x80, v2, vm0, $0xb8;
	[tilespmem:$0x18100] =	vst v63  }
0x103: {  	s20 =	simm.s32 $0x13100  }
0x104: {  	[tilespmem:s20], [sflag:$0x3] =	stream.indirect_vreg.gather [hbm4b:s11+s4], $0x80, v2, vm0, $0xb8;
	[tilespmem:$0x18100] =	vst v63  }
0x105: {  	s22 =	simm.s32 $0x13900  }
0x106: {  	[tilespmem:s22], [sflag:$0x3] =	stream.indirect_vreg.gather [hbm4b:s12+s4], $0x80, v2, vm0, $0xb8;
	[tilespmem:$0x18100] =	vst v63  }
0x107: {  	s24 =	simm.s32 $0x14100  }
0x108: {  	[tilespmem:s24], [sflag:$0x3] =	stream.indirect_vreg.gather [hbm4b:s13+s4], $0x80, v2, vm0, $0xb8;
	[tilespmem:$0x18100] =	vst v63  }
0x109: {  	s28 =	simm.s32 $0x14900  }
0x10a: {  	[tilespmem:s28], [sflag:$0x3] =	stream.indirect_vreg.gather [hbm4b:s14+s4], $0x80, v2, vm0, $0xb8;
	[tilespmem:$0x18100] =	vst v63  }
0x10b: {  	s30 =	simm.s32 $0x15100  }
0x10c: {  	[tilespmem:s30], [sflag:$0x3] =	stream.indirect_vreg.gather [hbm4b:s15+s4], $0x80, v2, vm0, $0xb8;
	[tilespmem:$0x18100] =	vst v63  }
0x10d: {  	s2 =	simm.s32 $0x15900  }
0x10e: {  	[tilespmem:s2], [sflag:$0x3] =	stream.indirect_vreg.gather [hbm4b:s16+s4], $0x80, v2, vm0, $0xb8;
	[tilespmem:$0x18100] =	vst v63  }
0x10f: {  	s5 =	simm.s32 $0x16100  }
0x110: {  	[tilespmem:s5], [sflag:$0x3] =	stream.indirect_vreg.gather [hbm4b:s17+s4], $0x80, v2, vm0, $0xb8;
	[tilespmem:$0x18100] =	vst v63  }
0x111: {  	s20 =	simm.s32 $0x16900  }
0x112: {  	[tilespmem:s20], [sflag:$0x3] =	stream.indirect_vreg.gather [hbm4b:s18+s4], $0x80, v2, vm0, $0xb8;
	[tilespmem:$0x18100] =	vst v63  }
0x113: {  	s22 =	simm.s32 $0x17100  }
0x114: {  	[tilespmem:s22], [sflag:$0x3] =	stream.indirect_vreg.gather [hbm4b:s19+s4], $0x80, v2, vm0, $0xb8;
	[tilespmem:$0x18100] =	vst v63  }
0x115: {  	s24 =	simm.s32 $0x17900;
	s20 =	simm.s32 $0x1  }
0x116: {  	[tilespmem:s24], [sflag:$0x3] =	stream.indirect_vreg.gather [hbm4b:s21+s4], $0x80, v2, vm0, $0xb8;
	[tilespmem:$0x18100] =	vst v63  }
0x117: {  	_ =	swait.ge [sflag:s20], $0x8000  }
0x118: {  	s0 =	smov.u32 s29;
	s22 =	rddreg [dreg:$0x4]  }
0x119: {  	s28 =	sand.u32 $0x40, s1;
	s5 =	simm.s32 $0x4;
	s22 =	sadd.s32 s31, s22  }
0x11a: {  	s24 =	simm.s32 $0x200;
	[sflag:s20] =	ssyncset.done $0x0;
	s30 =	sadd.s32 $0x3000, s22  }
0x11b: {  	[sflag:s20] =	ssyncadd.s32 $0xFFFF8000;
	s29 =	sand.u32 $0xFFFE000, s30;
	s30 =	sadd.s32 s23, s28  }
0x11c: {  	s20 =	simm.s32 $0x100;
	s28 =	simm.s32 $0x400;
	s2 =	sadd.s32 s29, s30  }
0x11d: {  	[hbm4b:s2+s24] =	stream.strided.scatter [tilespmem:s20], [sflag:$0x4], $0x8000, s28, s24, $0x38;
	[tilespmem:$0x18100] =	vst v63  }
0x11e: {  	_ =	swait.ge [sflag:s5], $0x8000  }
0x11f: {  	[sflag:s5] =	ssyncset.done $0x0  }
0x120: {  	[sflag:s5] =	ssyncadd.s32 $0xFFFF8000  }
0x121: {  	v2 =	vld.msk [tilespmem:s26+$0xFFFFFFF8], $0xf;
	_ =	sdelay $0x4  }
0x122: {  	v3 =	vshll.u32 v2, $0x6  }
0x123: {  	v2 =	vand.u32 $0x7, v2;
	v3 =	vand.u32 $0xFFFFFE00, v3  }
0x124: {  	v2 =	vor.u32 v2, v3  }
0x125: {  	v2 =	vperm.xlane v2, v0;
	_ =	sdelay $0x1  }
0x126: {  	v2 =	vadd.s32 v1, v2;
	_ =	sdelay $0x4  }
0x127: {  	[tilespmem:s20], [sflag:$0x1] =	stream.indirect_vreg.gather [hbm4b:s0+s4], $0x80, v2, vm0, $0xb8;
	[tilespmem:$0x18100] =	vst v63  }
0x128: {  	s20 =	simm.s32 $0x900  }
0x129: {  	[tilespmem:s20], [sflag:$0x1] =	stream.indirect_vreg.gather [hbm4b:s6+s4], $0x80, v2, vm0, $0xb8;
	[tilespmem:$0x18100] =	vst v63  }
0x12a: {  	s20 =	simm.s32 $0x1100  }
0x12b: {  	[tilespmem:s20], [sflag:$0x1] =	stream.indirect_vreg.gather [hbm4b:s7+s4], $0x80, v2, vm0, $0xb8;
	[tilespmem:$0x18100] =	vst v63  }
0x12c: {  	s20 =	simm.s32 $0x1900  }
0x12d: {  	[tilespmem:s20], [sflag:$0x1] =	stream.indirect_vreg.gather [hbm4b:s8+s4], $0x80, v2, vm0, $0xb8;
	[tilespmem:$0x18100] =	vst v63  }
0x12e: {  	s20 =	simm.s32 $0x2100  }
0x12f: {  	[tilespmem:s20], [sflag:$0x1] =	stream.indirect_vreg.gather [hbm4b:s9+s4], $0x80, v2, vm0, $0xb8;
	[tilespmem:$0x18100] =	vst v63  }
0x130: {  	s20 =	simm.s32 $0x2900  }
0x131: {  	[tilespmem:s20], [sflag:$0x1] =	stream.indirect_vreg.gather [hbm4b:s10+s4], $0x80, v2, vm0, $0xb8;
	[tilespmem:$0x18100] =	vst v63  }
0x132: {  	s20 =	simm.s32 $0x3100  }
0x133: {  	[tilespmem:s20], [sflag:$0x1] =	stream.indirect_vreg.gather [hbm4b:s11+s4], $0x80, v2, vm0, $0xb8;
	[tilespmem:$0x18100] =	vst v63  }
0x134: {  	s20 =	simm.s32 $0x3900  }
0x135: {  	[tilespmem:s20], [sflag:$0x1] =	stream.indirect_vreg.gather [hbm4b:s12+s4], $0x80, v2, vm0, $0xb8;
	[tilespmem:$0x18100] =	vst v63  }
0x136: {  	s20 =	simm.s32 $0x4100  }
0x137: {  	[tilespmem:s20], [sflag:$0x1] =	stream.indirect_vreg.gather [hbm4b:s13+s4], $0x80, v2, vm0, $0xb8;
	[tilespmem:$0x18100] =	vst v63  }
0x138: {  	s20 =	simm.s32 $0x4900  }
0x139: {  	[tilespmem:s20], [sflag:$0x1] =	stream.indirect_vreg.gather [hbm4b:s14+s4], $0x80, v2, vm0, $0xb8;
	[tilespmem:$0x18100] =	vst v63  }
0x13a: {  	s20 =	simm.s32 $0x5100  }
0x13b: {  	[tilespmem:s20], [sflag:$0x1] =	stream.indirect_vreg.gather [hbm4b:s15+s4], $0x80, v2, vm0, $0xb8;
	[tilespmem:$0x18100] =	vst v63  }
0x13c: {  	s20 =	simm.s32 $0x5900  }
0x13d: {  	[tilespmem:s20], [sflag:$0x1] =	stream.indirect_vreg.gather [hbm4b:s16+s4], $0x80, v2, vm0, $0xb8;
	[tilespmem:$0x18100] =	vst v63  }
0x13e: {  	s20 =	simm.s32 $0x6100  }
0x13f: {  	[tilespmem:s20], [sflag:$0x1] =	stream.indirect_vreg.gather [hbm4b:s17+s4], $0x80, v2, vm0, $0xb8;
	[tilespmem:$0x18100] =	vst v63  }
0x140: {  	s20 =	simm.s32 $0x6900  }
0x141: {  	[tilespmem:s20], [sflag:$0x1] =	stream.indirect_vreg.gather [hbm4b:s18+s4], $0x80, v2, vm0, $0xb8;
	[tilespmem:$0x18100] =	vst v63  }
0x142: {  	s20 =	simm.s32 $0x7100  }
0x143: {  	[tilespmem:s20], [sflag:$0x1] =	stream.indirect_vreg.gather [hbm4b:s19+s4], $0x80, v2, vm0, $0xb8;
	[tilespmem:$0x18100] =	vst v63  }
0x144: {  	s20 =	simm.s32 $0x7900  }
0x145: {  	[tilespmem:s20], [sflag:$0x1] =	stream.indirect_vreg.gather [hbm4b:s21+s4], $0x80, v2, vm0, $0xb8;
	[tilespmem:$0x18100] =	vst v63  }
0x146: {  	s29 =	sand.u32 $0x40, s3;
	s2 =	sadd.s32 $0x4000, s22;
	s20 =	simm.s32 $0x2  }
0x147: {  	s29 =	sadd.s32 s23, s29;
	s2 =	sand.u32 $0xFFFE000, s2;
	_ =	swait.ge [sflag:s20], $0x8000  }
0x148: {  	s2 =	sadd.s32 s2, s29;
	s29 =	smov.u32 s0;
	[sflag:s20] =	ssyncset.done $0x0  }
0x149: {  	s0 =	simm.s32 $0x8100;
	[sflag:s20] =	ssyncadd.s32 $0xFFFF8000;
	s20 =	simm.s32 $0x5  }
0x14a: {  	[hbm4b:s2+s24] =	stream.strided.scatter [tilespmem:s0], [sflag:$0x5], $0x8000, s28, s24, $0x38;
	[tilespmem:$0x18100] =	vst v63  }
0x14b: {  	_ =	swait.ge [sflag:s20], $0x8000  }
0x14c: {  	[sflag:s20] =	ssyncset.done $0x0  }
0x14d: {  	[sflag:s20] =	ssyncadd.s32 $0xFFFF8000  }
0x14e: {  	v2 =	vld.msk [tilespmem:s26+$0x0], $0xf;
	_ =	sdelay $0x4  }
0x14f: {  	v3 =	vshll.u32 v2, $0x6  }
0x150: {  	v2 =	vand.u32 $0x7, v2;
	v3 =	vand.u32 $0xFFFFFE00, v3  }
0x151: {  	v2 =	vor.u32 v2, v3  }
0x152: {  	v2 =	vperm.xlane v2, v0;
	_ =	sdelay $0x1  }
0x153: {  	v2 =	vadd.s32 v1, v2;
	_ =	sdelay $0x4  }
0x154: {  	[tilespmem:s0], [sflag:$0x2] =	stream.indirect_vreg.gather [hbm4b:s29+s4], $0x80, v2, vm0, $0xb8;
	[tilespmem:$0x18100] =	vst v63  }
0x155: {  	s2 =	simm.s32 $0x8900  }
0x156: {  	[tilespmem:s2], [sflag:$0x2] =	stream.indirect_vreg.gather [hbm4b:s6+s4], $0x80, v2, vm0, $0xb8;
	[tilespmem:$0x18100] =	vst v63  }
0x157: {  	s2 =	simm.s32 $0x9100  }
0x158: {  	[tilespmem:s2], [sflag:$0x2] =	stream.indirect_vreg.gather [hbm4b:s7+s4], $0x80, v2, vm0, $0xb8;
	[tilespmem:$0x18100] =	vst v63  }
0x159: {  	s2 =	simm.s32 $0x9900  }
0x15a: {  	[tilespmem:s2], [sflag:$0x2] =	stream.indirect_vreg.gather [hbm4b:s8+s4], $0x80, v2, vm0, $0xb8;
	[tilespmem:$0x18100] =	vst v63  }
0x15b: {  	s2 =	simm.s32 $0xA100  }
0x15c: {  	[tilespmem:s2], [sflag:$0x2] =	stream.indirect_vreg.gather [hbm4b:s9+s4], $0x80, v2, vm0, $0xb8;
	[tilespmem:$0x18100] =	vst v63  }
0x15d: {  	s2 =	simm.s32 $0xA900  }
0x15e: {  	[tilespmem:s2], [sflag:$0x2] =	stream.indirect_vreg.gather [hbm4b:s10+s4], $0x80, v2, vm0, $0xb8;
	[tilespmem:$0x18100] =	vst v63  }
0x15f: {  	s2 =	simm.s32 $0xB100  }
0x160: {  	[tilespmem:s2], [sflag:$0x2] =	stream.indirect_vreg.gather [hbm4b:s11+s4], $0x80, v2, vm0, $0xb8;
	[tilespmem:$0x18100] =	vst v63  }
0x161: {  	s2 =	simm.s32 $0xB900  }
0x162: {  	[tilespmem:s2], [sflag:$0x2] =	stream.indirect_vreg.gather [hbm4b:s12+s4], $0x80, v2, vm0, $0xb8;
	[tilespmem:$0x18100] =	vst v63  }
0x163: {  	s2 =	simm.s32 $0xC100  }
0x164: {  	[tilespmem:s2], [sflag:$0x2] =	stream.indirect_vreg.gather [hbm4b:s13+s4], $0x80, v2, vm0, $0xb8;
	[tilespmem:$0x18100] =	vst v63  }
0x165: {  	s2 =	simm.s32 $0xC900  }
0x166: {  	[tilespmem:s2], [sflag:$0x2] =	stream.indirect_vreg.gather [hbm4b:s14+s4], $0x80, v2, vm0, $0xb8;
	[tilespmem:$0x18100] =	vst v63  }
0x167: {  	s2 =	simm.s32 $0xD100  }
0x168: {  	[tilespmem:s2], [sflag:$0x2] =	stream.indirect_vreg.gather [hbm4b:s15+s4], $0x80, v2, vm0, $0xb8;
	[tilespmem:$0x18100] =	vst v63  }
0x169: {  	s2 =	simm.s32 $0xD900  }
0x16a: {  	[tilespmem:s2], [sflag:$0x2] =	stream.indirect_vreg.gather [hbm4b:s16+s4], $0x80, v2, vm0, $0xb8;
	[tilespmem:$0x18100] =	vst v63  }
0x16b: {  	s2 =	simm.s32 $0xE100  }
0x16c: {  	[tilespmem:s2], [sflag:$0x2] =	stream.indirect_vreg.gather [hbm4b:s17+s4], $0x80, v2, vm0, $0xb8;
	[tilespmem:$0x18100] =	vst v63  }
0x16d: {  	s2 =	simm.s32 $0xE900  }
0x16e: {  	[tilespmem:s2], [sflag:$0x2] =	stream.indirect_vreg.gather [hbm4b:s18+s4], $0x80, v2, vm0, $0xb8;
	[tilespmem:$0x18100] =	vst v63  }
0x16f: {  	p0 =	sne.s32 s31, $0x18000;
	s2 =	simm.s32 $0xF100  }
0x170: {  	[tilespmem:s2], [sflag:$0x2] =	stream.indirect_vreg.gather [hbm4b:s19+s4], $0x80, v2, vm0, $0xb8;
	[tilespmem:$0x18100] =	vst v63  }
0x171: {  	s1 =	sadd.s32 $0x40, s1;
	s31 =	sadd.s32 $0x3000, s31;
	s2 =	simm.s32 $0xF900  }
0x172: {  	[tilespmem:s2], [sflag:$0x2] =	stream.indirect_vreg.gather [hbm4b:s21+s4], $0x80, v2, vm0, $0xb8;
	[tilespmem:$0x18100] =	vst v63  }
.Ltmp0:
0x173: {  	s3 =	sadd.s32 $0xC0, s3;
	s22 =	sadd.s32 $0x5000, s22;
	(pc) =	sbr.rel @p0 .LBB2_2-.Ltmp0, $4  }
0x174: {  	s5 =	simm.s32 $0x100;
	s20 =	simm.s32 $0x8100;
	_ =	swait.ge [sflag:s25], $0x8000  }
0x175: {  	s26 =	sadd.s32 $0x18, s26;
	s2 =	sand.u32 $0x7FE000, s22;
	[sflag:s25] =	ssyncset.done $0x0  }
0x176: {  	s0 =	simm.s32 $0x10100;
	s2 =	sadd.s32 s2, s30;
	[sflag:s25] =	ssyncadd.s32 $0xFFFF8000  }
0x177: {  	[hbm4b:s2+s24] =	stream.strided.scatter [tilespmem:s0], [sflag:$0x6], $0x8000, s28, s24, $0x38;
	[tilespmem:$0x18100] =	vst v63  }
0x178: {  	s0 =	simm.s32 $0x1  }
0x179: {  	_ =	swait.ge [sflag:s0], $0x8000  }
0x17a: {  	s1 =	simm.s32 $0x200;
	[sflag:s0] =	ssyncset.done $0x0  }
0x17b: {  	s2 =	simm.s32 $0x400;
	s3 =	rddreg [dreg:$0x9];
	[sflag:s0] =	ssyncadd.s32 $0xFFFF8000  }
0x17c: {  	[hbm4b:s3+s1] =	stream.strided.scatter [tilespmem:s5], [sflag:$0x4], $0x8000, s2, s1, $0x38;
	[tilespmem:$0x18100] =	vst v63  }
0x17d: {  	s5 =	simm.s32 $0x2  }
0x17e: {  	_ =	swait.ge [sflag:s5], $0x8000  }
0x17f: {  	[sflag:s5] =	ssyncset.done $0x0  }
0x180: {  	s23 =	simm.s32 $0x6;
	s22 =	rddreg [dreg:$0xb];
	[sflag:s5] =	ssyncadd.s32 $0xFFFF8000  }
0x181: {  	[hbm4b:s22+s1] =	stream.strided.scatter [tilespmem:s20], [sflag:$0x5], $0x8000, s2, s1, $0x38;
	[tilespmem:$0x18100] =	vst v63  }
0x182: {  	_ =	swait.ge [sflag:s23], $0x8000  }
0x183: {  	[sflag:s23] =	ssyncset.done $0x0  }
0x184: {  	s24 =	simm.s32 $0x4;
	[sflag:s23] =	ssyncadd.s32 $0xFFFF8000  }
0x185: {  	_ =	swait.ge [sflag:s24], $0x8000  }
0x186: {  	[sflag:s24] =	ssyncset.done $0x0  }
0x187: {  	s25 =	simm.s32 $0x5;
	[sflag:s24] =	ssyncadd.s32 $0xFFFF8000  }
0x188: {  	_ =	swait.ge [sflag:s25], $0x8000  }
0x189: {  	s26 =	rddreg [dreg:$0xc]  }
0x18a: {  	s28 =	rddreg [dreg:$0xa];
	s5 =	sadd.s32 $0x1, s26  }
0x18b: {  	p0 =	sne.s32 s5, s28  }
.Ltmp1:
0x18c: {  	_ = 	snop;
	(pc) =	sbr.rel @p0 .LBB2_1-.Ltmp1, $4  }
0x18d: {  	s30 =	simm.s32 $0x3900;
	s31 =	simm.s32 $0x4100  }
0x18e: {  	s3 =	simm.s32 $0x1900;
	s1 =	simm.s32 $0x900;
	s2 =	simm.s32 $0x1100  }
0x18f: {  	s22 =	simm.s32 $0x2100;
	s20 =	simm.s32 $0x8900;
	[sflag:s25] =	ssyncset.done $0x0  }
0x190: {  	s23 =	simm.s32 $0x2900;
	[sflag:s25] =	ssyncadd.s32 $0xFFFF8000;
	s26 =	simm.s32 $0x3100  }
0x191: {  	_ =	sfence.sel $0x180000  }
0x192: {  	[bflag:$0x0] =	sbarrier.arrive $0xFFFF  }
0x193: {  	_ =	strace $0x90000047  }
0x194: {  	s0 =	stileid.u32;
	[bflag:$0x2] =	sbarrier.arrive $0xFFFF  }
0x195: {  	p0 =	sne.s32 s0, $0x0;
	s0 =	rddreg [dreg:$0x3]  }
0x196: {  	s0 =	sadd.s32 @!p0 $0x100000, s0  }
0x197: {  	[sflag:s0] =	ssyncadd.tile.s32 @!p0 $0x1;
	_ =	shalt  }
.Lfunc_end2:
_tile_overlayer_lowered:
.L_overlay_start_2:
0x198: {  	(tag) =	ssettag $0x2  }
0x199: {  	s0 =	rddreg [dreg:$0x0];
	s2 =	stileid.u32  }
0x19a: {  	s1 =	rddreg [dreg:$0x1];
	p0 =	sne.s32 s2, $0x0  }
0x19b: {  	s3 =	rddreg [dreg:$0x2];
	[bflag:$0x3] =	sbarrier.arrive $0xFFFF;
	s2 =	simm.s32 @!p0 $0x1C07  }
0x19c: {  	[timem:s3], [sflag:s2] =	dma.local @!p0 [hbm:s0], s1  }
0x19d: {  	s0 =	simm.s32 @!p0 $0x7  }
0x19e: {  	_ =	swait.ge @!p0 [sflag:s0], s1  }
0x19f: {  	s1 =	ssub.s32 @!p0 $0x0, s1;
	[sflag:s0] =	ssyncset.done @!p0 $0x0  }
0x1a0: {  	[sflag:s0] =	ssyncadd.s32 @!p0 s1  }
0x1a1: {  	[bflag:$0x3] =	sbarrier.arrive $0xFFFF  }
0x1a2: {  	_ =	shalt  }

</sc_bundles>
